<compile_context>
chip_gen: v7x
topology: tpu7x:2x2x1
jax: 0.10.2.dev20260603
libtpu: 0.0.44.dev20260713+nightly
codegen_flags: <defaults>
</compile_context>

<pallas_src>
import functools

import jax
import jax.numpy as jnp
from jax import lax
from jax.experimental import pallas as pl
from jax.experimental.pallas import tpu as pltpu
from jax.experimental.pallas import tpu_sc as plsc

_NC = 2
_NS = 16
_CH = 128
_RCH = 128


def _npad(n):
  return (n // (_NS * _RCH) + 1) * (_NS * _RCH)


def _pad_edges(edge_index, n):
  e = edge_index.shape[1]
  nw = _NC * _NS
  nchunks = -(-e // _CH)
  cpt8 = -(-(-(-nchunks // nw)) // 8) * 8
  epad = nw * cpt8 * _CH
  if epad > e:
    npad = _npad(n)
    idx = jnp.arange(epad - e, dtype=jnp.int32)
    dsts = n + idx % (npad - n)
    srcs = idx % n
    pad = jnp.stack([srcs, dsts], axis=0)
    edge_index = jnp.concatenate([edge_index, pad], axis=1)
  return edge_index, cpt8


def _sc_segment_sum(x, ei_r, cpt8):
  n, d = x.shape
  npad = _npad(n)
  rpt = npad // _NS
  nr = rpt // _RCH
  assert d % 16 == 0, d

  mesh = plsc.VectorSubcoreMesh(core_axis_name="c", subcore_axis_name="s")

  @functools.partial(
      pl.kernel,
      out_type=jax.ShapeDtypeStruct((_NC, npad, d), jnp.float32),
      mesh=mesh,
      scratch_types=[
          [pltpu.VMEM((_CH,), jnp.int32)] * 2,
          pltpu.VMEM((_CH,), jnp.int32),
          pltpu.VMEM((_CH, d), jnp.float32),
          pltpu.VMEM((_RCH, d), jnp.float32),
          pltpu.VMEM_SHARED((npad, d), jnp.float32),
          [pltpu.SemaphoreType.DMA] * 2,
          pltpu.SemaphoreType.DMA,
          pltpu.SemaphoreType.DMA,
      ],
  )
  def k(x_hbm, ei_hbm, out_hbm, sidx, didx, rows, zb, acc, semi, semd, semg):
    cid = lax.axis_index("c")
    sid = lax.axis_index("s")
    wid = sid * _NC + cid
    c0 = wid * cpt8

    nw = _NC * _NS

    def cb(t):
      return (wid + nw * t) * _CH

    def sidx_start(t, b):
      pltpu.async_copy(ei_hbm.at[0, pl.ds(cb(t), _CH)], sidx[b], semi[b])

    def sidx_wait(t, b):
      pltpu.make_async_copy(ei_hbm.at[0, pl.ds(cb(t), _CH)], sidx[b],
                            semi[b]).wait()

    def didx_start(t):
      pltpu.async_copy(ei_hbm.at[1, pl.ds(cb(t), _CH)], didx, semd)

    def didx_wait(t):
      pltpu.make_async_copy(ei_hbm.at[1, pl.ds(cb(t), _CH)], didx,
                            semd).wait()

    sidx_start(0, 0)
    sidx_start(1, 1)
    didx_start(0)


    def zrow(i, carry):
      for j in range(d // 16):
        zb[i, pl.ds(j * 16, 16)] = jnp.zeros((16,), jnp.float32)
      return carry
    lax.fori_loop(0, _RCH, zrow, 0)
    r0 = sid * rpt
    for kk in range(nr):
      pltpu.sync_copy(zb, acc.at[pl.ds(r0 + kk * _RCH, _RCH)])
    plsc.subcore_barrier()

    def body(g, carry):
      for b in range(2):
        t = 2 * g + b
        sidx_wait(t, b)
        didx_wait(t)
        pltpu.async_copy(x_hbm.at[sidx[b]], rows, semg).wait()
        pltpu.sync_copy(rows, acc.at[didx], add=True)

        @pl.when(t + 1 < cpt8)
        def _(t=t):
          didx_start(t + 1)

        @pl.when(t + 2 < cpt8)
        def _(t=t, b=b):
          sidx_start(t + 2, b)

      return carry
    lax.fori_loop(0, cpt8 // 2, body, 0)
    plsc.subcore_barrier()

    for kk in range(nr):
      pltpu.sync_copy(acc.at[pl.ds(r0 + kk * _RCH, _RCH)],
                      out_hbm.at[cid, pl.ds(r0 + kk * _RCH, _RCH)])

  return k(x, ei_r)


def _matmul_t(h, w):
  return lax.dot_general(h, w, (((1,), (1,)), ((), ())),
                         preferred_element_type=jnp.float32)


def _gin_mlp(h, w1, b1, g, be, w2, b2):
  h = _matmul_t(h, w1) + b1
  m = jnp.mean(h, axis=0, keepdims=True)
  v = jnp.mean((h - m) * (h - m), axis=0, keepdims=True)
  h = (h - m) * lax.rsqrt(v + 1e-5) * g + be
  h = jnp.maximum(h, 0.0)
  h = _matmul_t(h, w2) + b2
  return jnp.maximum(h, 0.0)


def _tc_layer_a(x, p, w1, b1, g, be, w2, b2):
  n, d = x.shape

  def body(x_ref, p_ref, w1_ref, b1_ref, g_ref, be_ref, w2_ref, b2_ref, o_ref):
    h = x_ref[...] + p_ref[0, :n, :] + p_ref[1, :n, :]
    o_ref[...] = _gin_mlp(h, w1_ref[...], b1_ref[...], g_ref[...],
                          be_ref[...], w2_ref[...], b2_ref[...])

  return pl.pallas_call(
      body, out_shape=jax.ShapeDtypeStruct((n, d), jnp.float32),
  )(x, p, w1, b1.reshape(1, -1), g.reshape(1, -1), be.reshape(1, -1),
    w2, b2.reshape(1, -1))


def _tc_layer_b(x, p, w1, b1, g, be, w2, b2, wl1, bl1, wl2, bl2):
  n, d = x.shape
  dout = wl2.shape[0]

  def body(x_ref, p_ref, w1_ref, b1_ref, g_ref, be_ref, w2_ref, b2_ref,
           wl1_ref, bl1_ref, wl2_ref, bl2_ref, o_ref):
    h = x_ref[...] + p_ref[0, :n, :] + p_ref[1, :n, :]
    h = _gin_mlp(h, w1_ref[...], b1_ref[...], g_ref[...], be_ref[...],
                 w2_ref[...], b2_ref[...])
    h = jnp.maximum(_matmul_t(h, wl1_ref[...]) + bl1_ref[...], 0.0)
    o_ref[...] = _matmul_t(h, wl2_ref[...]) + bl2_ref[...]

  return pl.pallas_call(
      body, out_shape=jax.ShapeDtypeStruct((n, dout), jnp.float32),
  )(x, p, w1, b1.reshape(1, -1), g.reshape(1, -1), be.reshape(1, -1),
    w2, b2.reshape(1, -1), wl1, bl1.reshape(1, -1), wl2, bl2.reshape(1, -1))


def kernel(x, edge_index, W1a, b1a, g1a, be1a, W2a, b2a,
           W1b, b1b, g1b, be1b, W2b, b2b, Wl1, bl1, Wl2, bl2):
  n = x.shape[0]
  ei_r, cpt8 = _pad_edges(edge_index, n)
  p = _sc_segment_sum(x, ei_r, cpt8)
  h = _tc_layer_a(x, p, W1a, b1a, g1a, be1a, W2a, b2a)
  q = _sc_segment_sum(h, ei_r, cpt8)
  return _tc_layer_b(h, q, W1b, b1b, g1b, be1b, W2b, b2b, Wl1, bl1, Wl2, bl2)

# --- scband reference (transcript-rebuilt; emitter-appended) ---
"""Pipeline reference for scband-gin-75204877353218 (READ-ONLY COPY).

The authoritative reference and input builder live on the scoring server;
editing this copy changes nothing except your own understanding.
"""

import jax, jax.numpy as jnp
import numpy as np

N = 10000
E = 320000
D_IN = 128
DIM = 128
D_OUT = 128


def setup_inputs(seed: int = 0) -> dict:
    key = jax.random.key(seed)
    ks = jax.random.split(key, 20)
    x = jax.random.normal(ks[0], (N, D_IN), dtype=jnp.float32)
    edge_index = jax.random.randint(ks[1], (2, E), 0, N, dtype=jnp.int32)

    def lin(k, fout, fin):
        k1, k2 = jax.random.split(k)
        bound = 1.0 / np.sqrt(fin)
        W = jax.random.uniform(k1, (fout, fin), minval=-bound, maxval=bound, dtype=jnp.float32)
        b = jax.random.uniform(k2, (fout,), minval=-bound, maxval=bound, dtype=jnp.float32)
        return W, b

    W1a, b1a = lin(ks[2], DIM, D_IN)
    W2a, b2a = lin(ks[3], DIM, DIM)
    W1b, b1b = lin(ks[4], DIM, DIM)
    W2b, b2b = lin(ks[5], DIM, DIM)
    Wl1, bl1 = lin(ks[6], DIM, DIM)
    Wl2, bl2 = lin(ks[7], D_OUT, DIM)
    g1a = jnp.ones((DIM,), jnp.float32); be1a = jnp.zeros((DIM,), jnp.float32)
    g1b = jnp.ones((DIM,), jnp.float32); be1b = jnp.zeros((DIM,), jnp.float32)
    return {
        "x": x, "edge_index": edge_index,
        "W1a": W1a, "b1a": b1a, "g1a": g1a, "be1a": be1a, "W2a": W2a, "b2a": b2a,
        "W1b": W1b, "b1b": b1b, "g1b": g1b, "be1b": be1b, "W2b": W2b, "b2b": b2b,
        "Wl1": Wl1, "bl1": bl1, "Wl2": Wl2, "bl2": bl2,
    }


def _bn(h, g, b):
    m = jnp.mean(h, axis=0)
    v = jnp.var(h, axis=0)
    return (h - m) / jnp.sqrt(v + 1e-5) * g + b


def _gin_conv(x, edge_index, W1, b1, g, be, W2, b2):
    # message = x[src], aggregate sum at dst; eps = 0 (default, train_eps=False)
    src = edge_index[0]
    dst = edge_index[1]
    agg = jax.ops.segment_sum(jnp.take(x, src, axis=0), dst, num_segments=N)
    h = x + agg
    h = h @ W1.T + b1
    h = _bn(h, g, be)
    h = jax.nn.relu(h)
    h = h @ W2.T + b2
    return jax.nn.relu(h)


def reference(x, edge_index, W1a, b1a, g1a, be1a, W2a, b2a, W1b, b1b, g1b, be1b, W2b, b2b, Wl1, bl1, Wl2, bl2):
    h = _gin_conv(x, edge_index, W1a, b1a, g1a, be1a, W2a, b2a)
    h = _gin_conv(h, edge_index, W1b, b1b, g1b, be1b, W2b, b2b)
    h = jax.nn.relu(h @ Wl1.T + bl1)
    # dropout in eval mode -> identity (deterministic reference)
    out = h @ Wl2.T + bl2
    return out

if __name__ == "__main__":
    import jax
    _d = setup_inputs()
    print(jax.jit(kernel)(*tuple(_d.values())))

</pallas_src>

<mosaic_0001>
#map = affine_map<(d0, d1) -> (0, 0)>
#map1 = affine_map<(d0, d1) -> (0, 0, 0)>
module attributes {stable_mosaic.version = 14 : i64} {
  func.func @k(%arg0: i32, %arg1: i32, %arg2: memref<10000x128xf32, #tpu.memory_space<hbm>>, %arg3: memref<2x327680xi32, #tpu.memory_space<hbm>>, %arg4: memref<2x10240x128xf32, #tpu.memory_space<hbm>>, %arg5: memref<128xi32, #tpu.memory_space<vmem>>, %arg6: memref<128xi32, #tpu.memory_space<vmem>>, %arg7: memref<128xi32, #tpu.memory_space<vmem>>, %arg8: memref<128x128xf32, #tpu.memory_space<vmem>>, %arg9: memref<128x128xf32, #tpu.memory_space<vmem>>, %arg10: memref<10240x128xf32, #tpu.memory_space<vmem_shared>>, %arg11: memref<!tpu.dma_semaphore, #tpu.memory_space<semaphore_mem>>, %arg12: memref<!tpu.dma_semaphore, #tpu.memory_space<semaphore_mem>>, %arg13: memref<!tpu.dma_semaphore, #tpu.memory_space<semaphore_mem>>, %arg14: memref<!tpu.dma_semaphore, #tpu.memory_space<semaphore_mem>>) attributes {dimension_semantics = [#tpu.dimension_semantics<core_parallel>, #tpu.dimension_semantics<subcore_parallel>], iteration_bounds = array<i64: 2, 16>, scalar_prefetch = 0 : i64, scratch_operands = 10 : i64, tpu.core_type = #tpu.core_type<sc_vector_subcore>, window_params = [{transform_indices = #map}, {transform_indices = #map}, {transform_indices = #map1}]} {
    %mul3A = arith.constant 2 : i32
    %mul3A_0 = arith.muli %arg1, %mul3A : i32
    %add3A = arith.addi %mul3A_0, %arg0 : i32
    %mul3A_1 = arith.constant 80 : i32
    %mul3A_2 = arith.muli %add3A, %mul3A_1 : i32
    %add3A_3 = arith.constant 0 : i32
    %add3A_4 = arith.addi %add3A, %add3A_3 : i32
    %mul3A_5 = arith.constant 128 : i32
    %mul3A_6 = arith.muli %add3A_4, %mul3A_5 : i32
    %dma_start3A = arith.constant 0 : i32
    %dma_start3A_7 = tpu.memref_slice %arg3[%dma_start3A, %mul3A_6] : memref<2x327680xi32, #tpu.memory_space<hbm>> -> memref<1x128xi32, #tpu.memory_space<hbm>>
    %dma_start3A_8 = tpu.memref_squeeze %dma_start3A_7 : memref<1x128xi32, #tpu.memory_space<hbm>> -> memref<128xi32, #tpu.memory_space<hbm>>
    %dma_start3A_9 = tpu.memref_slice %arg3[%dma_start3A, %mul3A_6] : memref<2x327680xi32, #tpu.memory_space<hbm>> -> memref<1x128xi32, #tpu.memory_space<hbm>>
    %dma_start3A_10 = tpu.memref_squeeze %dma_start3A_9 : memref<1x128xi32, #tpu.memory_space<hbm>> -> memref<128xi32, #tpu.memory_space<hbm>>
    tpu.enqueue_dma source(%dma_start3A_10 : memref<128xi32, #tpu.memory_space<hbm>>) target(%arg5 : memref<128xi32, #tpu.memory_space<vmem>>) target_semaphore(%arg11 : memref<!tpu.dma_semaphore, #tpu.memory_space<semaphore_mem>>)
    %add3A_11 = arith.constant 32 : i32
    %add3A_12 = arith.addi %add3A, %add3A_11 : i32
    %mul3A_13 = arith.constant 128 : i32
    %mul3A_14 = arith.muli %add3A_12, %mul3A_13 : i32
    %dma_start3A_15 = arith.constant 0 : i32
    %dma_start3A_16 = tpu.memref_slice %arg3[%dma_start3A_15, %mul3A_14] : memref<2x327680xi32, #tpu.memory_space<hbm>> -> memref<1x128xi32, #tpu.memory_space<hbm>>
    %dma_start3A_17 = tpu.memref_squeeze %dma_start3A_16 : memref<1x128xi32, #tpu.memory_space<hbm>> -> memref<128xi32, #tpu.memory_space<hbm>>
    %dma_start3A_18 = tpu.memref_slice %arg3[%dma_start3A_15, %mul3A_14] : memref<2x327680xi32, #tpu.memory_space<hbm>> -> memref<1x128xi32, #tpu.memory_space<hbm>>
    %dma_start3A_19 = tpu.memref_squeeze %dma_start3A_18 : memref<1x128xi32, #tpu.memory_space<hbm>> -> memref<128xi32, #tpu.memory_space<hbm>>
    tpu.enqueue_dma source(%dma_start3A_19 : memref<128xi32, #tpu.memory_space<hbm>>) target(%arg6 : memref<128xi32, #tpu.memory_space<vmem>>) target_semaphore(%arg12 : memref<!tpu.dma_semaphore, #tpu.memory_space<semaphore_mem>>)
    %add3A_20 = arith.constant 0 : i32
    %add3A_21 = arith.addi %add3A, %add3A_20 : i32
    %mul3A_22 = arith.constant 128 : i32
    %mul3A_23 = arith.muli %add3A_21, %mul3A_22 : i32
    %dma_start3A_24 = arith.constant 1 : i32
    %dma_start3A_25 = tpu.memref_slice %arg3[%dma_start3A_24, %mul3A_23] : memref<2x327680xi32, #tpu.memory_space<hbm>> -> memref<1x128xi32, #tpu.memory_space<hbm>>
    %dma_start3A_26 = tpu.memref_squeeze %dma_start3A_25 : memref<1x128xi32, #tpu.memory_space<hbm>> -> memref<128xi32, #tpu.memory_space<hbm>>
    %dma_start3A_27 = tpu.memref_slice %arg3[%dma_start3A_24, %mul3A_23] : memref<2x327680xi32, #tpu.memory_space<hbm>> -> memref<1x128xi32, #tpu.memory_space<hbm>>
    %dma_start3A_28 = tpu.memref_squeeze %dma_start3A_27 : memref<1x128xi32, #tpu.memory_space<hbm>> -> memref<128xi32, #tpu.memory_space<hbm>>
    tpu.enqueue_dma source(%dma_start3A_28 : memref<128xi32, #tpu.memory_space<hbm>>) target(%arg7 : memref<128xi32, #tpu.memory_space<vmem>>) target_semaphore(%arg13 : memref<!tpu.dma_semaphore, #tpu.memory_space<semaphore_mem>>)
    %scan3A = arith.constant 0 : i32
    %scan3A_29 = arith.constant 0 : i32
    %scan3A_30 = arith.constant 128 : i32
    %scan3A_31 = arith.addi %scan3A_29, %scan3A_30 : i32
    %scan3A_32 = arith.constant 1 : i32
    scf.for %scan3A_73 = %scan3A_29 to %scan3A_31 step %scan3A_32  : i32 {
      %broadcast_in_dim3A = arith.constant 0.000000e+00 : f32
      %broadcast_in_dim3A_74 = vector.broadcast %broadcast_in_dim3A : f32 to vector<16xf32>
      %swap3A = arith.index_cast %scan3A_73 : i32 to index
      %swap3A_75 = arith.constant 0 : index
      %swap3A_76 = tpu.vector_load %arg9[%swap3A, %swap3A_75] {strides = array<i32>} : memref<128x128xf32, #tpu.memory_space<vmem>>, vector<1x16xf32>,
      %swap3A_77 = vector.shape_cast %swap3A_76 : vector<1x16xf32> to vector<16xf32>
      %swap3A_78 = vector.shape_cast %broadcast_in_dim3A_74 : vector<16xf32> to vector<1x16xf32>
      tpu.vector_store %arg9[%swap3A, %swap3A_75], %swap3A_78 {strides = array<i32>} : memref<128x128xf32, #tpu.memory_space<vmem>>, vector<1x16xf32>,
      %broadcast_in_dim3A_79 = arith.constant 0.000000e+00 : f32
      %broadcast_in_dim3A_80 = vector.broadcast %broadcast_in_dim3A_79 : f32 to vector<16xf32>
      %swap3A_81 = arith.index_cast %scan3A_73 : i32 to index
      %swap3A_82 = arith.constant 16 : index
      %swap3A_83 = tpu.vector_load %arg9[%swap3A_81, %swap3A_82] {strides = array<i32>} : memref<128x128xf32, #tpu.memory_space<vmem>>, vector<1x16xf32>,
      %swap3A_84 = vector.shape_cast %swap3A_83 : vector<1x16xf32> to vector<16xf32>
      %swap3A_85 = vector.shape_cast %broadcast_in_dim3A_80 : vector<16xf32> to vector<1x16xf32>
      tpu.vector_store %arg9[%swap3A_81, %swap3A_82], %swap3A_85 {strides = array<i32>} : memref<128x128xf32, #tpu.memory_space<vmem>>, vector<1x16xf32>,
      %broadcast_in_dim3A_86 = arith.constant 0.000000e+00 : f32
      %broadcast_in_dim3A_87 = vector.broadcast %broadcast_in_dim3A_86 : f32 to vector<16xf32>
      %swap3A_88 = arith.index_cast %scan3A_73 : i32 to index
      %swap3A_89 = arith.constant 32 : index
      %swap3A_90 = tpu.vector_load %arg9[%swap3A_88, %swap3A_89] {strides = array<i32>} : memref<128x128xf32, #tpu.memory_space<vmem>>, vector<1x16xf32>,
      %swap3A_91 = vector.shape_cast %swap3A_90 : vector<1x16xf32> to vector<16xf32>
      %swap3A_92 = vector.shape_cast %broadcast_in_dim3A_87 : vector<16xf32> to vector<1x16xf32>
      tpu.vector_store %arg9[%swap3A_88, %swap3A_89], %swap3A_92 {strides = array<i32>} : memref<128x128xf32, #tpu.memory_space<vmem>>, vector<1x16xf32>,
      %broadcast_in_dim3A_93 = arith.constant 0.000000e+00 : f32
      %broadcast_in_dim3A_94 = vector.broadcast %broadcast_in_dim3A_93 : f32 to vector<16xf32>
      %swap3A_95 = arith.index_cast %scan3A_73 : i32 to index
      %swap3A_96 = arith.constant 48 : index
      %swap3A_97 = tpu.vector_load %arg9[%swap3A_95, %swap3A_96] {strides = array<i32>} : memref<128x128xf32, #tpu.memory_space<vmem>>, vector<1x16xf32>,
      %swap3A_98 = vector.shape_cast %swap3A_97 : vector<1x16xf32> to vector<16xf32>
      %swap3A_99 = vector.shape_cast %broadcast_in_dim3A_94 : vector<16xf32> to vector<1x16xf32>
      tpu.vector_store %arg9[%swap3A_95, %swap3A_96], %swap3A_99 {strides = array<i32>} : memref<128x128xf32, #tpu.memory_space<vmem>>, vector<1x16xf32>,
      %broadcast_in_dim3A_100 = arith.constant 0.000000e+00 : f32
      %broadcast_in_dim3A_101 = vector.broadcast %broadcast_in_dim3A_100 : f32 to vector<16xf32>
      %swap3A_102 = arith.index_cast %scan3A_73 : i32 to index
      %swap3A_103 = arith.constant 64 : index
      %swap3A_104 = tpu.vector_load %arg9[%swap3A_102, %swap3A_103] {strides = array<i32>} : memref<128x128xf32, #tpu.memory_space<vmem>>, vector<1x16xf32>,
      %swap3A_105 = vector.shape_cast %swap3A_104 : vector<1x16xf32> to vector<16xf32>
      %swap3A_106 = vector.shape_cast %broadcast_in_dim3A_101 : vector<16xf32> to vector<1x16xf32>
      tpu.vector_store %arg9[%swap3A_102, %swap3A_103], %swap3A_106 {strides = array<i32>} : memref<128x128xf32, #tpu.memory_space<vmem>>, vector<1x16xf32>,
      %broadcast_in_dim3A_107 = arith.constant 0.000000e+00 : f32
      %broadcast_in_dim3A_108 = vector.broadcast %broadcast_in_dim3A_107 : f32 to vector<16xf32>
      %swap3A_109 = arith.index_cast %scan3A_73 : i32 to index
      %swap3A_110 = arith.constant 80 : index
      %swap3A_111 = tpu.vector_load %arg9[%swap3A_109, %swap3A_110] {strides = array<i32>} : memref<128x128xf32, #tpu.memory_space<vmem>>, vector<1x16xf32>,
      %swap3A_112 = vector.shape_cast %swap3A_111 : vector<1x16xf32> to vector<16xf32>
      %swap3A_113 = vector.shape_cast %broadcast_in_dim3A_108 : vector<16xf32> to vector<1x16xf32>
      tpu.vector_store %arg9[%swap3A_109, %swap3A_110], %swap3A_113 {strides = array<i32>} : memref<128x128xf32, #tpu.memory_space<vmem>>, vector<1x16xf32>,
      %broadcast_in_dim3A_114 = arith.constant 0.000000e+00 : f32
      %broadcast_in_dim3A_115 = vector.broadcast %broadcast_in_dim3A_114 : f32 to vector<16xf32>
      %swap3A_116 = arith.index_cast %scan3A_73 : i32 to index
      %swap3A_117 = arith.constant 96 : index
      %swap3A_118 = tpu.vector_load %arg9[%swap3A_116, %swap3A_117] {strides = array<i32>} : memref<128x128xf32, #tpu.memory_space<vmem>>, vector<1x16xf32>,
      %swap3A_119 = vector.shape_cast %swap3A_118 : vector<1x16xf32> to vector<16xf32>
      %swap3A_120 = vector.shape_cast %broadcast_in_dim3A_115 : vector<16xf32> to vector<1x16xf32>
      tpu.vector_store %arg9[%swap3A_116, %swap3A_117], %swap3A_120 {strides = array<i32>} : memref<128x128xf32, #tpu.memory_space<vmem>>, vector<1x16xf32>,
      %broadcast_in_dim3A_121 = arith.constant 0.000000e+00 : f32
      %broadcast_in_dim3A_122 = vector.broadcast %broadcast_in_dim3A_121 : f32 to vector<16xf32>
      %swap3A_123 = arith.index_cast %scan3A_73 : i32 to index
      %swap3A_124 = arith.constant 112 : index
      %swap3A_125 = tpu.vector_load %arg9[%swap3A_123, %swap3A_124] {strides = array<i32>} : memref<128x128xf32, #tpu.memory_space<vmem>>, vector<1x16xf32>,
      %swap3A_126 = vector.shape_cast %swap3A_125 : vector<1x16xf32> to vector<16xf32>
      %swap3A_127 = vector.shape_cast %broadcast_in_dim3A_122 : vector<16xf32> to vector<1x16xf32>
      tpu.vector_store %arg9[%swap3A_123, %swap3A_124], %swap3A_127 {strides = array<i32>} : memref<128x128xf32, #tpu.memory_space<vmem>>, vector<1x16xf32>,
    }
    %scan3A_33 = arith.constant 128 : i32
    %mul3A_34 = arith.constant 640 : i32
    %mul3A_35 = arith.muli %arg1, %mul3A_34 : i32
    %add3A_36 = arith.constant 0 : i32
    %add3A_37 = arith.addi %mul3A_35, %add3A_36 : i32
    "tpu.region"() ({
      %run_scoped3A = tpu.sem_alloc : memref<!tpu.dma_semaphore, #tpu.memory_space<semaphore_mem>>
      %dma_start3A_73 = arith.constant 0 : i32
      %dma_start3A_74 = tpu.memref_slice %arg10[%add3A_37, %dma_start3A_73] : memref<10240x128xf32, #tpu.memory_space<vmem_shared>> -> memref<128x128xf32, #tpu.memory_space<vmem_shared>>
      %dma_start3A_75 = arith.constant 0 : i32
      %dma_start3A_76 = tpu.memref_slice %arg10[%add3A_37, %dma_start3A_75] : memref<10240x128xf32, #tpu.memory_space<vmem_shared>> -> memref<128x128xf32, #tpu.memory_space<vmem_shared>>
      tpu.enqueue_dma source(%arg9 : memref<128x128xf32, #tpu.memory_space<vmem>>) target(%dma_start3A_76 : memref<128x128xf32, #tpu.memory_space<vmem_shared>>) target_semaphore(%run_scoped3A : memref<!tpu.dma_semaphore, #tpu.memory_space<semaphore_mem>>)
      %dma_wait3A = arith.constant 0 : i32
      %dma_wait3A_77 = tpu.memref_slice %arg10[%add3A_37, %dma_wait3A] : memref<10240x128xf32, #tpu.memory_space<vmem_shared>> -> memref<128x128xf32, #tpu.memory_space<vmem_shared>>
      %dma_wait3A_78 = arith.constant 0 : i32
      %dma_wait3A_79 = tpu.memref_slice %arg10[%add3A_37, %dma_wait3A_78] : memref<10240x128xf32, #tpu.memory_space<vmem_shared>> -> memref<128x128xf32, #tpu.memory_space<vmem_shared>>
      tpu.wait_dma2 semaphore(%run_scoped3A : memref<!tpu.dma_semaphore, #tpu.memory_space<semaphore_mem>>) src(%arg9 : memref<128x128xf32, #tpu.memory_space<vmem>>) dst(%dma_wait3A_79 : memref<128x128xf32, #tpu.memory_space<vmem_shared>>)
      tpu.yield
    }) : () -> ()
    %add3A_38 = arith.constant 128 : i32
    %add3A_39 = arith.addi %mul3A_35, %add3A_38 : i32
    "tpu.region"() ({
      %run_scoped3A = tpu.sem_alloc : memref<!tpu.dma_semaphore, #tpu.memory_space<semaphore_mem>>
      %dma_start3A_73 = arith.constant 0 : i32
      %dma_start3A_74 = tpu.memref_slice %arg10[%add3A_39, %dma_start3A_73] : memref<10240x128xf32, #tpu.memory_space<vmem_shared>> -> memref<128x128xf32, #tpu.memory_space<vmem_shared>>
      %dma_start3A_75 = arith.constant 0 : i32
      %dma_start3A_76 = tpu.memref_slice %arg10[%add3A_39, %dma_start3A_75] : memref<10240x128xf32, #tpu.memory_space<vmem_shared>> -> memref<128x128xf32, #tpu.memory_space<vmem_shared>>
      tpu.enqueue_dma source(%arg9 : memref<128x128xf32, #tpu.memory_space<vmem>>) target(%dma_start3A_76 : memref<128x128xf32, #tpu.memory_space<vmem_shared>>) target_semaphore(%run_scoped3A : memref<!tpu.dma_semaphore, #tpu.memory_space<semaphore_mem>>)
      %dma_wait3A = arith.constant 0 : i32
      %dma_wait3A_77 = tpu.memref_slice %arg10[%add3A_39, %dma_wait3A] : memref<10240x128xf32, #tpu.memory_space<vmem_shared>> -> memref<128x128xf32, #tpu.memory_space<vmem_shared>>
      %dma_wait3A_78 = arith.constant 0 : i32
      %dma_wait3A_79 = tpu.memref_slice %arg10[%add3A_39, %dma_wait3A_78] : memref<10240x128xf32, #tpu.memory_space<vmem_shared>> -> memref<128x128xf32, #tpu.memory_space<vmem_shared>>
      tpu.wait_dma2 semaphore(%run_scoped3A : memref<!tpu.dma_semaphore, #tpu.memory_space<semaphore_mem>>) src(%arg9 : memref<128x128xf32, #tpu.memory_space<vmem>>) dst(%dma_wait3A_79 : memref<128x128xf32, #tpu.memory_space<vmem_shared>>)
      tpu.yield
    }) : () -> ()
    %add3A_40 = arith.constant 256 : i32
    %add3A_41 = arith.addi %mul3A_35, %add3A_40 : i32
    "tpu.region"() ({
      %run_scoped3A = tpu.sem_alloc : memref<!tpu.dma_semaphore, #tpu.memory_space<semaphore_mem>>
      %dma_start3A_73 = arith.constant 0 : i32
      %dma_start3A_74 = tpu.memref_slice %arg10[%add3A_41, %dma_start3A_73] : memref<10240x128xf32, #tpu.memory_space<vmem_shared>> -> memref<128x128xf32, #tpu.memory_space<vmem_shared>>
      %dma_start3A_75 = arith.constant 0 : i32
      %dma_start3A_76 = tpu.memref_slice %arg10[%add3A_41, %dma_start3A_75] : memref<10240x128xf32, #tpu.memory_space<vmem_shared>> -> memref<128x128xf32, #tpu.memory_space<vmem_shared>>
      tpu.enqueue_dma source(%arg9 : memref<128x128xf32, #tpu.memory_space<vmem>>) target(%dma_start3A_76 : memref<128x128xf32, #tpu.memory_space<vmem_shared>>) target_semaphore(%run_scoped3A : memref<!tpu.dma_semaphore, #tpu.memory_space<semaphore_mem>>)
      %dma_wait3A = arith.constant 0 : i32
      %dma_wait3A_77 = tpu.memref_slice %arg10[%add3A_41, %dma_wait3A] : memref<10240x128xf32, #tpu.memory_space<vmem_shared>> -> memref<128x128xf32, #tpu.memory_space<vmem_shared>>
      %dma_wait3A_78 = arith.constant 0 : i32
      %dma_wait3A_79 = tpu.memref_slice %arg10[%add3A_41, %dma_wait3A_78] : memref<10240x128xf32, #tpu.memory_space<vmem_shared>> -> memref<128x128xf32, #tpu.memory_space<vmem_shared>>
      tpu.wait_dma2 semaphore(%run_scoped3A : memref<!tpu.dma_semaphore, #tpu.memory_space<semaphore_mem>>) src(%arg9 : memref<128x128xf32, #tpu.memory_space<vmem>>) dst(%dma_wait3A_79 : memref<128x128xf32, #tpu.memory_space<vmem_shared>>)
      tpu.yield
    }) : () -> ()
    %add3A_42 = arith.constant 384 : i32
    %add3A_43 = arith.addi %mul3A_35, %add3A_42 : i32
    "tpu.region"() ({
      %run_scoped3A = tpu.sem_alloc : memref<!tpu.dma_semaphore, #tpu.memory_space<semaphore_mem>>
      %dma_start3A_73 = arith.constant 0 : i32
      %dma_start3A_74 = tpu.memref_slice %arg10[%add3A_43, %dma_start3A_73] : memref<10240x128xf32, #tpu.memory_space<vmem_shared>> -> memref<128x128xf32, #tpu.memory_space<vmem_shared>>
      %dma_start3A_75 = arith.constant 0 : i32
      %dma_start3A_76 = tpu.memref_slice %arg10[%add3A_43, %dma_start3A_75] : memref<10240x128xf32, #tpu.memory_space<vmem_shared>> -> memref<128x128xf32, #tpu.memory_space<vmem_shared>>
      tpu.enqueue_dma source(%arg9 : memref<128x128xf32, #tpu.memory_space<vmem>>) target(%dma_start3A_76 : memref<128x128xf32, #tpu.memory_space<vmem_shared>>) target_semaphore(%run_scoped3A : memref<!tpu.dma_semaphore, #tpu.memory_space<semaphore_mem>>)
      %dma_wait3A = arith.constant 0 : i32
      %dma_wait3A_77 = tpu.memref_slice %arg10[%add3A_43, %dma_wait3A] : memref<10240x128xf32, #tpu.memory_space<vmem_shared>> -> memref<128x128xf32, #tpu.memory_space<vmem_shared>>
      %dma_wait3A_78 = arith.constant 0 : i32
      %dma_wait3A_79 = tpu.memref_slice %arg10[%add3A_43, %dma_wait3A_78] : memref<10240x128xf32, #tpu.memory_space<vmem_shared>> -> memref<128x128xf32, #tpu.memory_space<vmem_shared>>
      tpu.wait_dma2 semaphore(%run_scoped3A : memref<!tpu.dma_semaphore, #tpu.memory_space<semaphore_mem>>) src(%arg9 : memref<128x128xf32, #tpu.memory_space<vmem>>) dst(%dma_wait3A_79 : memref<128x128xf32, #tpu.memory_space<vmem_shared>>)
      tpu.yield
    }) : () -> ()
    %add3A_44 = arith.constant 512 : i32
    %add3A_45 = arith.addi %mul3A_35, %add3A_44 : i32
    "tpu.region"() ({
      %run_scoped3A = tpu.sem_alloc : memref<!tpu.dma_semaphore, #tpu.memory_space<semaphore_mem>>
      %dma_start3A_73 = arith.constant 0 : i32
      %dma_start3A_74 = tpu.memref_slice %arg10[%add3A_45, %dma_start3A_73] : memref<10240x128xf32, #tpu.memory_space<vmem_shared>> -> memref<128x128xf32, #tpu.memory_space<vmem_shared>>
      %dma_start3A_75 = arith.constant 0 : i32
      %dma_start3A_76 = tpu.memref_slice %arg10[%add3A_45, %dma_start3A_75] : memref<10240x128xf32, #tpu.memory_space<vmem_shared>> -> memref<128x128xf32, #tpu.memory_space<vmem_shared>>
      tpu.enqueue_dma source(%arg9 : memref<128x128xf32, #tpu.memory_space<vmem>>) target(%dma_start3A_76 : memref<128x128xf32, #tpu.memory_space<vmem_shared>>) target_semaphore(%run_scoped3A : memref<!tpu.dma_semaphore, #tpu.memory_space<semaphore_mem>>)
      %dma_wait3A = arith.constant 0 : i32
      %dma_wait3A_77 = tpu.memref_slice %arg10[%add3A_45, %dma_wait3A] : memref<10240x128xf32, #tpu.memory_space<vmem_shared>> -> memref<128x128xf32, #tpu.memory_space<vmem_shared>>
      %dma_wait3A_78 = arith.constant 0 : i32
      %dma_wait3A_79 = tpu.memref_slice %arg10[%add3A_45, %dma_wait3A_78] : memref<10240x128xf32, #tpu.memory_space<vmem_shared>> -> memref<128x128xf32, #tpu.memory_space<vmem_shared>>
      tpu.wait_dma2 semaphore(%run_scoped3A : memref<!tpu.dma_semaphore, #tpu.memory_space<semaphore_mem>>) src(%arg9 : memref<128x128xf32, #tpu.memory_space<vmem>>) dst(%dma_wait3A_79 : memref<128x128xf32, #tpu.memory_space<vmem_shared>>)
      tpu.yield
    }) : () -> ()
    %barrier3A = arith.constant 0 : index
    tpu.barrier barrier_id(%barrier3A)
    %scan3A_46 = arith.constant 0 : i32
    %scan3A_47 = arith.constant 0 : i32
    %scan3A_48 = arith.constant 40 : i32
    %scan3A_49 = arith.addi %scan3A_47, %scan3A_48 : i32
    %scan3A_50 = arith.constant 1 : i32
    scf.for %scan3A_73 = %scan3A_47 to %scan3A_49 step %scan3A_50  : i32 {
      %mul3A_74 = arith.constant 2 : i32
      %mul3A_75 = arith.muli %mul3A_74, %scan3A_73 : i32
      %add3A_76 = arith.constant 0 : i32
      %add3A_77 = arith.addi %mul3A_75, %add3A_76 : i32
      %mul3A_78 = arith.constant 32 : i32
      %mul3A_79 = arith.muli %mul3A_78, %add3A_77 : i32
      %add3A_80 = arith.addi %add3A, %mul3A_79 : i32
      %mul3A_81 = arith.constant 128 : i32
      %mul3A_82 = arith.muli %add3A_80, %mul3A_81 : i32
      %dma_wait3A = arith.constant 0 : i32
      %dma_wait3A_83 = tpu.memref_slice %arg3[%dma_wait3A, %mul3A_82] : memref<2x327680xi32, #tpu.memory_space<hbm>> -> memref<1x128xi32, #tpu.memory_space<hbm>>
      %dma_wait3A_84 = tpu.memref_squeeze %dma_wait3A_83 : memref<1x128xi32, #tpu.memory_space<hbm>> -> memref<128xi32, #tpu.memory_space<hbm>>
      %dma_wait3A_85 = tpu.memref_slice %arg3[%dma_wait3A, %mul3A_82] : memref<2x327680xi32, #tpu.memory_space<hbm>> -> memref<1x128xi32, #tpu.memory_space<hbm>>
      %dma_wait3A_86 = tpu.memref_squeeze %dma_wait3A_85 : memref<1x128xi32, #tpu.memory_space<hbm>> -> memref<128xi32, #tpu.memory_space<hbm>>
      tpu.wait_dma2 semaphore(%arg11 : memref<!tpu.dma_semaphore, #tpu.memory_space<semaphore_mem>>) src(%dma_wait3A_86 : memref<128xi32, #tpu.memory_space<hbm>>) dst(%arg5 : memref<128xi32, #tpu.memory_space<vmem>>)
      %mul3A_87 = arith.constant 32 : i32
      %mul3A_88 = arith.muli %mul3A_87, %add3A_77 : i32
      %add3A_89 = arith.addi %add3A, %mul3A_88 : i32
      %mul3A_90 = arith.constant 128 : i32
      %mul3A_91 = arith.muli %add3A_89, %mul3A_90 : i32
      %dma_wait3A_92 = arith.constant 1 : i32
      %dma_wait3A_93 = tpu.memref_slice %arg3[%dma_wait3A_92, %mul3A_91] : memref<2x327680xi32, #tpu.memory_space<hbm>> -> memref<1x128xi32, #tpu.memory_space<hbm>>
      %dma_wait3A_94 = tpu.memref_squeeze %dma_wait3A_93 : memref<1x128xi32, #tpu.memory_space<hbm>> -> memref<128xi32, #tpu.memory_space<hbm>>
      %dma_wait3A_95 = tpu.memref_slice %arg3[%dma_wait3A_92, %mul3A_91] : memref<2x327680xi32, #tpu.memory_space<hbm>> -> memref<1x128xi32, #tpu.memory_space<hbm>>
      %dma_wait3A_96 = tpu.memref_squeeze %dma_wait3A_95 : memref<1x128xi32, #tpu.memory_space<hbm>> -> memref<128xi32, #tpu.memory_space<hbm>>
      tpu.wait_dma2 semaphore(%arg13 : memref<!tpu.dma_semaphore, #tpu.memory_space<semaphore_mem>>) src(%dma_wait3A_96 : memref<128xi32, #tpu.memory_space<hbm>>) dst(%arg7 : memref<128xi32, #tpu.memory_space<vmem>>)
      %dma_start3A_97 = arith.constant 0 : i32
      %dma_start3A_98 = arith.constant 0 : i32
      %dma_start3A_99 = tpu.memref_slice %arg2[%dma_start3A_97, %dma_start3A_98] : memref<10000x128xf32, #tpu.memory_space<hbm>> -> memref<10000x128xf32, #tpu.memory_space<hbm>>
      tpu.enqueue_indirect_dma source(%dma_start3A_99 : memref<10000x128xf32, #tpu.memory_space<hbm>>) target(%arg8 : memref<128x128xf32, #tpu.memory_space<vmem>>) offsets(%arg5 : memref<128xi32, #tpu.memory_space<vmem>>) semaphore(%arg14 : memref<!tpu.dma_semaphore, #tpu.memory_space<semaphore_mem>>)
      %dma_wait3A_100 = arith.constant 0 : i32
      %dma_wait3A_101 = arith.constant 0 : i32
      %dma_wait3A_102 = tpu.memref_slice %arg2[%dma_wait3A_100, %dma_wait3A_101] : memref<10000x128xf32, #tpu.memory_space<hbm>> -> memref<10000x128xf32, #tpu.memory_space<hbm>>
      tpu.wait_indirect_dma semaphore(%arg14 : memref<!tpu.dma_semaphore, #tpu.memory_space<semaphore_mem>>) src(%dma_wait3A_102 : memref<10000x128xf32, #tpu.memory_space<hbm>>) dst(%arg8 : memref<128x128xf32, #tpu.memory_space<vmem>>)
      "tpu.region"() ({
        %run_scoped3A = tpu.sem_alloc : memref<!tpu.dma_semaphore, #tpu.memory_space<semaphore_mem>>
        %dma_start3A_158 = arith.constant 0 : i32
        %dma_start3A_159 = arith.constant 0 : i32
        %dma_start3A_160 = tpu.memref_slice %arg10[%dma_start3A_158, %dma_start3A_159] : memref<10240x128xf32, #tpu.memory_space<vmem_shared>> -> memref<10240x128xf32, #tpu.memory_space<vmem_shared>>
        tpu.enqueue_indirect_dma source(%arg8 : memref<128x128xf32, #tpu.memory_space<vmem>>) target(%dma_start3A_160 : memref<10240x128xf32, #tpu.memory_space<vmem_shared>>) offsets(%arg7 : memref<128xi32, #tpu.memory_space<vmem>>) semaphore(%run_scoped3A : memref<!tpu.dma_semaphore, #tpu.memory_space<semaphore_mem>>) {add = true}
        %dma_wait3A_161 = arith.constant 0 : i32
        %dma_wait3A_162 = arith.constant 0 : i32
        %dma_wait3A_163 = tpu.memref_slice %arg10[%dma_wait3A_161, %dma_wait3A_162] : memref<10240x128xf32, #tpu.memory_space<vmem_shared>> -> memref<10240x128xf32, #tpu.memory_space<vmem_shared>>
        tpu.wait_indirect_dma semaphore(%run_scoped3A : memref<!tpu.dma_semaphore, #tpu.memory_space<semaphore_mem>>) src(%arg8 : memref<128x128xf32, #tpu.memory_space<vmem>>) dst(%dma_wait3A_163 : memref<10240x128xf32, #tpu.memory_space<vmem_shared>>)
        tpu.yield
      }) : () -> ()
      %add3A_103 = arith.constant 1 : i32
      %add3A_104 = arith.addi %add3A_77, %add3A_103 : i32
      %lt3A = arith.constant 80 : i32
      %lt3A_105 = arith.cmpi slt, %add3A_104, %lt3A : i32
      %convert_element_type3A = arith.extui %lt3A_105 : i1 to i32
      %cond3A = arith.constant 0 : i32
      %cond3A_106 = arith.cmpi ne, %convert_element_type3A, %cond3A : i32
      scf.if %cond3A_106 {
        %add3A_158 = arith.constant 1 : i32
        %add3A_159 = arith.addi %add3A_77, %add3A_158 : i32
        %mul3A_160 = arith.constant 32 : i32
        %mul3A_161 = arith.muli %mul3A_160, %add3A_159 : i32
        %add3A_162 = arith.addi %add3A, %mul3A_161 : i32
        %mul3A_163 = arith.constant 128 : i32
        %mul3A_164 = arith.muli %add3A_162, %mul3A_163 : i32
        %dma_start3A_165 = arith.constant 1 : i32
        %dma_start3A_166 = tpu.memref_slice %arg3[%dma_start3A_165, %mul3A_164] : memref<2x327680xi32, #tpu.memory_space<hbm>> -> memref<1x128xi32, #tpu.memory_space<hbm>>
        %dma_start3A_167 = tpu.memref_squeeze %dma_start3A_166 : memref<1x128xi32, #tpu.memory_space<hbm>> -> memref<128xi32, #tpu.memory_space<hbm>>
        %dma_start3A_168 = tpu.memref_slice %arg3[%dma_start3A_165, %mul3A_164] : memref<2x327680xi32, #tpu.memory_space<hbm>> -> memref<1x128xi32, #tpu.memory_space<hbm>>
        %dma_start3A_169 = tpu.memref_squeeze %dma_start3A_168 : memref<1x128xi32, #tpu.memory_space<hbm>> -> memref<128xi32, #tpu.memory_space<hbm>>
        tpu.enqueue_dma source(%dma_start3A_169 : memref<128xi32, #tpu.memory_space<hbm>>) target(%arg7 : memref<128xi32, #tpu.memory_space<vmem>>) target_semaphore(%arg13 : memref<!tpu.dma_semaphore, #tpu.memory_space<semaphore_mem>>)
      } else {
      }
      %add3A_107 = arith.constant 2 : i32
      %add3A_108 = arith.addi %add3A_77, %add3A_107 : i32
      %lt3A_109 = arith.constant 80 : i32
      %lt3A_110 = arith.cmpi slt, %add3A_108, %lt3A_109 : i32
      %convert_element_type3A_111 = arith.extui %lt3A_110 : i1 to i32
      %cond3A_112 = arith.constant 0 : i32
      %cond3A_113 = arith.cmpi ne, %convert_element_type3A_111, %cond3A_112 : i32
      scf.if %cond3A_113 {
        %add3A_158 = arith.constant 2 : i32
        %add3A_159 = arith.addi %add3A_77, %add3A_158 : i32
        %mul3A_160 = arith.constant 32 : i32
        %mul3A_161 = arith.muli %mul3A_160, %add3A_159 : i32
        %add3A_162 = arith.addi %add3A, %mul3A_161 : i32
        %mul3A_163 = arith.constant 128 : i32
        %mul3A_164 = arith.muli %add3A_162, %mul3A_163 : i32
        %dma_start3A_165 = arith.constant 0 : i32
        %dma_start3A_166 = tpu.memref_slice %arg3[%dma_start3A_165, %mul3A_164] : memref<2x327680xi32, #tpu.memory_space<hbm>> -> memref<1x128xi32, #tpu.memory_space<hbm>>
        %dma_start3A_167 = tpu.memref_squeeze %dma_start3A_166 : memref<1x128xi32, #tpu.memory_space<hbm>> -> memref<128xi32, #tpu.memory_space<hbm>>
        %dma_start3A_168 = tpu.memref_slice %arg3[%dma_start3A_165, %mul3A_164] : memref<2x327680xi32, #tpu.memory_space<hbm>> -> memref<1x128xi32, #tpu.memory_space<hbm>>
        %dma_start3A_169 = tpu.memref_squeeze %dma_start3A_168 : memref<1x128xi32, #tpu.memory_space<hbm>> -> memref<128xi32, #tpu.memory_space<hbm>>
        tpu.enqueue_dma source(%dma_start3A_169 : memref<128xi32, #tpu.memory_space<hbm>>) target(%arg5 : memref<128xi32, #tpu.memory_space<vmem>>) target_semaphore(%arg11 : memref<!tpu.dma_semaphore, #tpu.memory_space<semaphore_mem>>)
      } else {
      }
      %mul3A_114 = arith.constant 2 : i32
      %mul3A_115 = arith.muli %mul3A_114, %scan3A_73 : i32
      %add3A_116 = arith.constant 1 : i32
      %add3A_117 = arith.addi %mul3A_115, %add3A_116 : i32
      %mul3A_118 = arith.constant 32 : i32
      %mul3A_119 = arith.muli %mul3A_118, %add3A_117 : i32
      %add3A_120 = arith.addi %add3A, %mul3A_119 : i32
      %mul3A_121 = arith.constant 128 : i32
      %mul3A_122 = arith.muli %add3A_120, %mul3A_121 : i32
      %dma_wait3A_123 = arith.constant 0 : i32
      %dma_wait3A_124 = tpu.memref_slice %arg3[%dma_wait3A_123, %mul3A_122] : memref<2x327680xi32, #tpu.memory_space<hbm>> -> memref<1x128xi32, #tpu.memory_space<hbm>>
      %dma_wait3A_125 = tpu.memref_squeeze %dma_wait3A_124 : memref<1x128xi32, #tpu.memory_space<hbm>> -> memref<128xi32, #tpu.memory_space<hbm>>
      %dma_wait3A_126 = tpu.memref_slice %arg3[%dma_wait3A_123, %mul3A_122] : memref<2x327680xi32, #tpu.memory_space<hbm>> -> memref<1x128xi32, #tpu.memory_space<hbm>>
      %dma_wait3A_127 = tpu.memref_squeeze %dma_wait3A_126 : memref<1x128xi32, #tpu.memory_space<hbm>> -> memref<128xi32, #tpu.memory_space<hbm>>
      tpu.wait_dma2 semaphore(%arg12 : memref<!tpu.dma_semaphore, #tpu.memory_space<semaphore_mem>>) src(%dma_wait3A_127 : memref<128xi32, #tpu.memory_space<hbm>>) dst(%arg6 : memref<128xi32, #tpu.memory_space<vmem>>)
      %mul3A_128 = arith.constant 32 : i32
      %mul3A_129 = arith.muli %mul3A_128, %add3A_117 : i32
      %add3A_130 = arith.addi %add3A, %mul3A_129 : i32
      %mul3A_131 = arith.constant 128 : i32
      %mul3A_132 = arith.muli %add3A_130, %mul3A_131 : i32
      %dma_wait3A_133 = arith.constant 1 : i32
      %dma_wait3A_134 = tpu.memref_slice %arg3[%dma_wait3A_133, %mul3A_132] : memref<2x327680xi32, #tpu.memory_space<hbm>> -> memref<1x128xi32, #tpu.memory_space<hbm>>
      %dma_wait3A_135 = tpu.memref_squeeze %dma_wait3A_134 : memref<1x128xi32, #tpu.memory_space<hbm>> -> memref<128xi32, #tpu.memory_space<hbm>>
      %dma_wait3A_136 = tpu.memref_slice %arg3[%dma_wait3A_133, %mul3A_132] : memref<2x327680xi32, #tpu.memory_space<hbm>> -> memref<1x128xi32, #tpu.memory_space<hbm>>
      %dma_wait3A_137 = tpu.memref_squeeze %dma_wait3A_136 : memref<1x128xi32, #tpu.memory_space<hbm>> -> memref<128xi32, #tpu.memory_space<hbm>>
      tpu.wait_dma2 semaphore(%arg13 : memref<!tpu.dma_semaphore, #tpu.memory_space<semaphore_mem>>) src(%dma_wait3A_137 : memref<128xi32, #tpu.memory_space<hbm>>) dst(%arg7 : memref<128xi32, #tpu.memory_space<vmem>>)
      %dma_start3A_138 = arith.constant 0 : i32
      %dma_start3A_139 = arith.constant 0 : i32
      %dma_start3A_140 = tpu.memref_slice %arg2[%dma_start3A_138, %dma_start3A_139] : memref<10000x128xf32, #tpu.memory_space<hbm>> -> memref<10000x128xf32, #tpu.memory_space<hbm>>
      tpu.enqueue_indirect_dma source(%dma_start3A_140 : memref<10000x128xf32, #tpu.memory_space<hbm>>) target(%arg8 : memref<128x128xf32, #tpu.memory_space<vmem>>) offsets(%arg6 : memref<128xi32, #tpu.memory_space<vmem>>) semaphore(%arg14 : memref<!tpu.dma_semaphore, #tpu.memory_space<semaphore_mem>>)
      %dma_wait3A_141 = arith.constant 0 : i32
      %dma_wait3A_142 = arith.constant 0 : i32
      %dma_wait3A_143 = tpu.memref_slice %arg2[%dma_wait3A_141, %dma_wait3A_142] : memref<10000x128xf32, #tpu.memory_space<hbm>> -> memref<10000x128xf32, #tpu.memory_space<hbm>>
      tpu.wait_indirect_dma semaphore(%arg14 : memref<!tpu.dma_semaphore, #tpu.memory_space<semaphore_mem>>) src(%dma_wait3A_143 : memref<10000x128xf32, #tpu.memory_space<hbm>>) dst(%arg8 : memref<128x128xf32, #tpu.memory_space<vmem>>)
      "tpu.region"() ({
        %run_scoped3A = tpu.sem_alloc : memref<!tpu.dma_semaphore, #tpu.memory_space<semaphore_mem>>
        %dma_start3A_158 = arith.constant 0 : i32
        %dma_start3A_159 = arith.constant 0 : i32
        %dma_start3A_160 = tpu.memref_slice %arg10[%dma_start3A_158, %dma_start3A_159] : memref<10240x128xf32, #tpu.memory_space<vmem_shared>> -> memref<10240x128xf32, #tpu.memory_space<vmem_shared>>
        tpu.enqueue_indirect_dma source(%arg8 : memref<128x128xf32, #tpu.memory_space<vmem>>) target(%dma_start3A_160 : memref<10240x128xf32, #tpu.memory_space<vmem_shared>>) offsets(%arg7 : memref<128xi32, #tpu.memory_space<vmem>>) semaphore(%run_scoped3A : memref<!tpu.dma_semaphore, #tpu.memory_space<semaphore_mem>>) {add = true}
        %dma_wait3A_161 = arith.constant 0 : i32
        %dma_wait3A_162 = arith.constant 0 : i32
        %dma_wait3A_163 = tpu.memref_slice %arg10[%dma_wait3A_161, %dma_wait3A_162] : memref<10240x128xf32, #tpu.memory_space<vmem_shared>> -> memref<10240x128xf32, #tpu.memory_space<vmem_shared>>
        tpu.wait_indirect_dma semaphore(%run_scoped3A : memref<!tpu.dma_semaphore, #tpu.memory_space<semaphore_mem>>) src(%arg8 : memref<128x128xf32, #tpu.memory_space<vmem>>) dst(%dma_wait3A_163 : memref<10240x128xf32, #tpu.memory_space<vmem_shared>>)
        tpu.yield
      }) : () -> ()
      %add3A_144 = arith.constant 1 : i32
      %add3A_145 = arith.addi %add3A_117, %add3A_144 : i32
      %lt3A_146 = arith.constant 80 : i32
      %lt3A_147 = arith.cmpi slt, %add3A_145, %lt3A_146 : i32
      %convert_element_type3A_148 = arith.extui %lt3A_147 : i1 to i32
      %cond3A_149 = arith.constant 0 : i32
      %cond3A_150 = arith.cmpi ne, %convert_element_type3A_148, %cond3A_149 : i32
      scf.if %cond3A_150 {
        %add3A_158 = arith.constant 1 : i32
        %add3A_159 = arith.addi %add3A_117, %add3A_158 : i32
        %mul3A_160 = arith.constant 32 : i32
        %mul3A_161 = arith.muli %mul3A_160, %add3A_159 : i32
        %add3A_162 = arith.addi %add3A, %mul3A_161 : i32
        %mul3A_163 = arith.constant 128 : i32
        %mul3A_164 = arith.muli %add3A_162, %mul3A_163 : i32
        %dma_start3A_165 = arith.constant 1 : i32
        %dma_start3A_166 = tpu.memref_slice %arg3[%dma_start3A_165, %mul3A_164] : memref<2x327680xi32, #tpu.memory_space<hbm>> -> memref<1x128xi32, #tpu.memory_space<hbm>>
        %dma_start3A_167 = tpu.memref_squeeze %dma_start3A_166 : memref<1x128xi32, #tpu.memory_space<hbm>> -> memref<128xi32, #tpu.memory_space<hbm>>
        %dma_start3A_168 = tpu.memref_slice %arg3[%dma_start3A_165, %mul3A_164] : memref<2x327680xi32, #tpu.memory_space<hbm>> -> memref<1x128xi32, #tpu.memory_space<hbm>>
        %dma_start3A_169 = tpu.memref_squeeze %dma_start3A_168 : memref<1x128xi32, #tpu.memory_space<hbm>> -> memref<128xi32, #tpu.memory_space<hbm>>
        tpu.enqueue_dma source(%dma_start3A_169 : memref<128xi32, #tpu.memory_space<hbm>>) target(%arg7 : memref<128xi32, #tpu.memory_space<vmem>>) target_semaphore(%arg13 : memref<!tpu.dma_semaphore, #tpu.memory_space<semaphore_mem>>)
      } else {
      }
      %add3A_151 = arith.constant 2 : i32
      %add3A_152 = arith.addi %add3A_117, %add3A_151 : i32
      %lt3A_153 = arith.constant 80 : i32
      %lt3A_154 = arith.cmpi slt, %add3A_152, %lt3A_153 : i32
      %convert_element_type3A_155 = arith.extui %lt3A_154 : i1 to i32
      %cond3A_156 = arith.constant 0 : i32
      %cond3A_157 = arith.cmpi ne, %convert_element_type3A_155, %cond3A_156 : i32
      scf.if %cond3A_157 {
        %add3A_158 = arith.constant 2 : i32
        %add3A_159 = arith.addi %add3A_117, %add3A_158 : i32
        %mul3A_160 = arith.constant 32 : i32
        %mul3A_161 = arith.muli %mul3A_160, %add3A_159 : i32
        %add3A_162 = arith.addi %add3A, %mul3A_161 : i32
        %mul3A_163 = arith.constant 128 : i32
        %mul3A_164 = arith.muli %add3A_162, %mul3A_163 : i32
        %dma_start3A_165 = arith.constant 0 : i32
        %dma_start3A_166 = tpu.memref_slice %arg3[%dma_start3A_165, %mul3A_164] : memref<2x327680xi32, #tpu.memory_space<hbm>> -> memref<1x128xi32, #tpu.memory_space<hbm>>
        %dma_start3A_167 = tpu.memref_squeeze %dma_start3A_166 : memref<1x128xi32, #tpu.memory_space<hbm>> -> memref<128xi32, #tpu.memory_space<hbm>>
        %dma_start3A_168 = tpu.memref_slice %arg3[%dma_start3A_165, %mul3A_164] : memref<2x327680xi32, #tpu.memory_space<hbm>> -> memref<1x128xi32, #tpu.memory_space<hbm>>
        %dma_start3A_169 = tpu.memref_squeeze %dma_start3A_168 : memref<1x128xi32, #tpu.memory_space<hbm>> -> memref<128xi32, #tpu.memory_space<hbm>>
        tpu.enqueue_dma source(%dma_start3A_169 : memref<128xi32, #tpu.memory_space<hbm>>) target(%arg6 : memref<128xi32, #tpu.memory_space<vmem>>) target_semaphore(%arg12 : memref<!tpu.dma_semaphore, #tpu.memory_space<semaphore_mem>>)
      } else {
      }
    }
    %scan3A_51 = arith.constant 40 : i32
    %barrier3A_52 = arith.constant 0 : index
    tpu.barrier barrier_id(%barrier3A_52)
    %add3A_53 = arith.constant 0 : i32
    %add3A_54 = arith.addi %mul3A_35, %add3A_53 : i32
    %add3A_55 = arith.constant 0 : i32
    %add3A_56 = arith.addi %mul3A_35, %add3A_55 : i32
    "tpu.region"() ({
      %run_scoped3A = tpu.sem_alloc : memref<!tpu.dma_semaphore, #tpu.memory_space<semaphore_mem>>
      %dma_start3A_73 = arith.constant 0 : i32
      %dma_start3A_74 = tpu.memref_slice %arg4[%arg0, %add3A_56, %dma_start3A_73] : memref<2x10240x128xf32, #tpu.memory_space<hbm>> -> memref<1x128x128xf32, #tpu.memory_space<hbm>>
      %dma_start3A_75 = tpu.memref_squeeze %dma_start3A_74 : memref<1x128x128xf32, #tpu.memory_space<hbm>> -> memref<128x128xf32, #tpu.memory_space<hbm>>
      %dma_start3A_76 = arith.constant 0 : i32
      %dma_start3A_77 = tpu.memref_slice %arg10[%add3A_54, %dma_start3A_76] : memref<10240x128xf32, #tpu.memory_space<vmem_shared>> -> memref<128x128xf32, #tpu.memory_space<vmem_shared>>
      tpu.enqueue_dma source(%dma_start3A_77 : memref<128x128xf32, #tpu.memory_space<vmem_shared>>) target(%dma_start3A_75 : memref<128x128xf32, #tpu.memory_space<hbm>>) target_semaphore(%run_scoped3A : memref<!tpu.dma_semaphore, #tpu.memory_space<semaphore_mem>>)
      %dma_wait3A = arith.constant 0 : i32
      %dma_wait3A_78 = tpu.memref_slice %arg4[%arg0, %add3A_56, %dma_wait3A] : memref<2x10240x128xf32, #tpu.memory_space<hbm>> -> memref<1x128x128xf32, #tpu.memory_space<hbm>>
      %dma_wait3A_79 = tpu.memref_squeeze %dma_wait3A_78 : memref<1x128x128xf32, #tpu.memory_space<hbm>> -> memref<128x128xf32, #tpu.memory_space<hbm>>
      %dma_wait3A_80 = arith.constant 0 : i32
      %dma_wait3A_81 = tpu.memref_slice %arg10[%add3A_54, %dma_wait3A_80] : memref<10240x128xf32, #tpu.memory_space<vmem_shared>> -> memref<128x128xf32, #tpu.memory_space<vmem_shared>>
      tpu.wait_dma2 semaphore(%run_scoped3A : memref<!tpu.dma_semaphore, #tpu.memory_space<semaphore_mem>>) src(%dma_wait3A_81 : memref<128x128xf32, #tpu.memory_space<vmem_shared>>) dst(%dma_wait3A_79 : memref<128x128xf32, #tpu.memory_space<hbm>>)
      tpu.yield
    }) : () -> ()
    %add3A_57 = arith.constant 128 : i32
    %add3A_58 = arith.addi %mul3A_35, %add3A_57 : i32
    %add3A_59 = arith.constant 128 : i32
    %add3A_60 = arith.addi %mul3A_35, %add3A_59 : i32
    "tpu.region"() ({
      %run_scoped3A = tpu.sem_alloc : memref<!tpu.dma_semaphore, #tpu.memory_space<semaphore_mem>>
      %dma_start3A_73 = arith.constant 0 : i32
      %dma_start3A_74 = tpu.memref_slice %arg4[%arg0, %add3A_60, %dma_start3A_73] : memref<2x10240x128xf32, #tpu.memory_space<hbm>> -> memref<1x128x128xf32, #tpu.memory_space<hbm>>
      %dma_start3A_75 = tpu.memref_squeeze %dma_start3A_74 : memref<1x128x128xf32, #tpu.memory_space<hbm>> -> memref<128x128xf32, #tpu.memory_space<hbm>>
      %dma_start3A_76 = arith.constant 0 : i32
      %dma_start3A_77 = tpu.memref_slice %arg10[%add3A_58, %dma_start3A_76] : memref<10240x128xf32, #tpu.memory_space<vmem_shared>> -> memref<128x128xf32, #tpu.memory_space<vmem_shared>>
      tpu.enqueue_dma source(%dma_start3A_77 : memref<128x128xf32, #tpu.memory_space<vmem_shared>>) target(%dma_start3A_75 : memref<128x128xf32, #tpu.memory_space<hbm>>) target_semaphore(%run_scoped3A : memref<!tpu.dma_semaphore, #tpu.memory_space<semaphore_mem>>)
      %dma_wait3A = arith.constant 0 : i32
      %dma_wait3A_78 = tpu.memref_slice %arg4[%arg0, %add3A_60, %dma_wait3A] : memref<2x10240x128xf32, #tpu.memory_space<hbm>> -> memref<1x128x128xf32, #tpu.memory_space<hbm>>
      %dma_wait3A_79 = tpu.memref_squeeze %dma_wait3A_78 : memref<1x128x128xf32, #tpu.memory_space<hbm>> -> memref<128x128xf32, #tpu.memory_space<hbm>>
      %dma_wait3A_80 = arith.constant 0 : i32
      %dma_wait3A_81 = tpu.memref_slice %arg10[%add3A_58, %dma_wait3A_80] : memref<10240x128xf32, #tpu.memory_space<vmem_shared>> -> memref<128x128xf32, #tpu.memory_space<vmem_shared>>
      tpu.wait_dma2 semaphore(%run_scoped3A : memref<!tpu.dma_semaphore, #tpu.memory_space<semaphore_mem>>) src(%dma_wait3A_81 : memref<128x128xf32, #tpu.memory_space<vmem_shared>>) dst(%dma_wait3A_79 : memref<128x128xf32, #tpu.memory_space<hbm>>)
      tpu.yield
    }) : () -> ()
    %add3A_61 = arith.constant 256 : i32
    %add3A_62 = arith.addi %mul3A_35, %add3A_61 : i32
    %add3A_63 = arith.constant 256 : i32
    %add3A_64 = arith.addi %mul3A_35, %add3A_63 : i32
    "tpu.region"() ({
      %run_scoped3A = tpu.sem_alloc : memref<!tpu.dma_semaphore, #tpu.memory_space<semaphore_mem>>
      %dma_start3A_73 = arith.constant 0 : i32
      %dma_start3A_74 = tpu.memref_slice %arg4[%arg0, %add3A_64, %dma_start3A_73] : memref<2x10240x128xf32, #tpu.memory_space<hbm>> -> memref<1x128x128xf32, #tpu.memory_space<hbm>>
      %dma_start3A_75 = tpu.memref_squeeze %dma_start3A_74 : memref<1x128x128xf32, #tpu.memory_space<hbm>> -> memref<128x128xf32, #tpu.memory_space<hbm>>
      %dma_start3A_76 = arith.constant 0 : i32
      %dma_start3A_77 = tpu.memref_slice %arg10[%add3A_62, %dma_start3A_76] : memref<10240x128xf32, #tpu.memory_space<vmem_shared>> -> memref<128x128xf32, #tpu.memory_space<vmem_shared>>
      tpu.enqueue_dma source(%dma_start3A_77 : memref<128x128xf32, #tpu.memory_space<vmem_shared>>) target(%dma_start3A_75 : memref<128x128xf32, #tpu.memory_space<hbm>>) target_semaphore(%run_scoped3A : memref<!tpu.dma_semaphore, #tpu.memory_space<semaphore_mem>>)
      %dma_wait3A = arith.constant 0 : i32
      %dma_wait3A_78 = tpu.memref_slice %arg4[%arg0, %add3A_64, %dma_wait3A] : memref<2x10240x128xf32, #tpu.memory_space<hbm>> -> memref<1x128x128xf32, #tpu.memory_space<hbm>>
      %dma_wait3A_79 = tpu.memref_squeeze %dma_wait3A_78 : memref<1x128x128xf32, #tpu.memory_space<hbm>> -> memref<128x128xf32, #tpu.memory_space<hbm>>
      %dma_wait3A_80 = arith.constant 0 : i32
      %dma_wait3A_81 = tpu.memref_slice %arg10[%add3A_62, %dma_wait3A_80] : memref<10240x128xf32, #tpu.memory_space<vmem_shared>> -> memref<128x128xf32, #tpu.memory_space<vmem_shared>>
      tpu.wait_dma2 semaphore(%run_scoped3A : memref<!tpu.dma_semaphore, #tpu.memory_space<semaphore_mem>>) src(%dma_wait3A_81 : memref<128x128xf32, #tpu.memory_space<vmem_shared>>) dst(%dma_wait3A_79 : memref<128x128xf32, #tpu.memory_space<hbm>>)
      tpu.yield
    }) : () -> ()
    %add3A_65 = arith.constant 384 : i32
    %add3A_66 = arith.addi %mul3A_35, %add3A_65 : i32
    %add3A_67 = arith.constant 384 : i32
    %add3A_68 = arith.addi %mul3A_35, %add3A_67 : i32
    "tpu.region"() ({
      %run_scoped3A = tpu.sem_alloc : memref<!tpu.dma_semaphore, #tpu.memory_space<semaphore_mem>>
      %dma_start3A_73 = arith.constant 0 : i32
      %dma_start3A_74 = tpu.memref_slice %arg4[%arg0, %add3A_68, %dma_start3A_73] : memref<2x10240x128xf32, #tpu.memory_space<hbm>> -> memref<1x128x128xf32, #tpu.memory_space<hbm>>
      %dma_start3A_75 = tpu.memref_squeeze %dma_start3A_74 : memref<1x128x128xf32, #tpu.memory_space<hbm>> -> memref<128x128xf32, #tpu.memory_space<hbm>>
      %dma_start3A_76 = arith.constant 0 : i32
      %dma_start3A_77 = tpu.memref_slice %arg10[%add3A_66, %dma_start3A_76] : memref<10240x128xf32, #tpu.memory_space<vmem_shared>> -> memref<128x128xf32, #tpu.memory_space<vmem_shared>>
      tpu.enqueue_dma source(%dma_start3A_77 : memref<128x128xf32, #tpu.memory_space<vmem_shared>>) target(%dma_start3A_75 : memref<128x128xf32, #tpu.memory_space<hbm>>) target_semaphore(%run_scoped3A : memref<!tpu.dma_semaphore, #tpu.memory_space<semaphore_mem>>)
      %dma_wait3A = arith.constant 0 : i32
      %dma_wait3A_78 = tpu.memref_slice %arg4[%arg0, %add3A_68, %dma_wait3A] : memref<2x10240x128xf32, #tpu.memory_space<hbm>> -> memref<1x128x128xf32, #tpu.memory_space<hbm>>
      %dma_wait3A_79 = tpu.memref_squeeze %dma_wait3A_78 : memref<1x128x128xf32, #tpu.memory_space<hbm>> -> memref<128x128xf32, #tpu.memory_space<hbm>>
      %dma_wait3A_80 = arith.constant 0 : i32
      %dma_wait3A_81 = tpu.memref_slice %arg10[%add3A_66, %dma_wait3A_80] : memref<10240x128xf32, #tpu.memory_space<vmem_shared>> -> memref<128x128xf32, #tpu.memory_space<vmem_shared>>
      tpu.wait_dma2 semaphore(%run_scoped3A : memref<!tpu.dma_semaphore, #tpu.memory_space<semaphore_mem>>) src(%dma_wait3A_81 : memref<128x128xf32, #tpu.memory_space<vmem_shared>>) dst(%dma_wait3A_79 : memref<128x128xf32, #tpu.memory_space<hbm>>)
      tpu.yield
    }) : () -> ()
    %add3A_69 = arith.constant 512 : i32
    %add3A_70 = arith.addi %mul3A_35, %add3A_69 : i32
    %add3A_71 = arith.constant 512 : i32
    %add3A_72 = arith.addi %mul3A_35, %add3A_71 : i32
    "tpu.region"() ({
      %run_scoped3A = tpu.sem_alloc : memref<!tpu.dma_semaphore, #tpu.memory_space<semaphore_mem>>
      %dma_start3A_73 = arith.constant 0 : i32
      %dma_start3A_74 = tpu.memref_slice %arg4[%arg0, %add3A_72, %dma_start3A_73] : memref<2x10240x128xf32, #tpu.memory_space<hbm>> -> memref<1x128x128xf32, #tpu.memory_space<hbm>>
      %dma_start3A_75 = tpu.memref_squeeze %dma_start3A_74 : memref<1x128x128xf32, #tpu.memory_space<hbm>> -> memref<128x128xf32, #tpu.memory_space<hbm>>
      %dma_start3A_76 = arith.constant 0 : i32
      %dma_start3A_77 = tpu.memref_slice %arg10[%add3A_70, %dma_start3A_76] : memref<10240x128xf32, #tpu.memory_space<vmem_shared>> -> memref<128x128xf32, #tpu.memory_space<vmem_shared>>
      tpu.enqueue_dma source(%dma_start3A_77 : memref<128x128xf32, #tpu.memory_space<vmem_shared>>) target(%dma_start3A_75 : memref<128x128xf32, #tpu.memory_space<hbm>>) target_semaphore(%run_scoped3A : memref<!tpu.dma_semaphore, #tpu.memory_space<semaphore_mem>>)
      %dma_wait3A = arith.constant 0 : i32
      %dma_wait3A_78 = tpu.memref_slice %arg4[%arg0, %add3A_72, %dma_wait3A] : memref<2x10240x128xf32, #tpu.memory_space<hbm>> -> memref<1x128x128xf32, #tpu.memory_space<hbm>>
      %dma_wait3A_79 = tpu.memref_squeeze %dma_wait3A_78 : memref<1x128x128xf32, #tpu.memory_space<hbm>> -> memref<128x128xf32, #tpu.memory_space<hbm>>
      %dma_wait3A_80 = arith.constant 0 : i32
      %dma_wait3A_81 = tpu.memref_slice %arg10[%add3A_70, %dma_wait3A_80] : memref<10240x128xf32, #tpu.memory_space<vmem_shared>> -> memref<128x128xf32, #tpu.memory_space<vmem_shared>>
      tpu.wait_dma2 semaphore(%run_scoped3A : memref<!tpu.dma_semaphore, #tpu.memory_space<semaphore_mem>>) src(%dma_wait3A_81 : memref<128x128xf32, #tpu.memory_space<vmem_shared>>) dst(%dma_wait3A_79 : memref<128x128xf32, #tpu.memory_space<hbm>>)
      tpu.yield
    }) : () -> ()
    return
  }
}

#map = affine_map<(d0, d1) -> (0, 0)>
#map1 = affine_map<(d0, d1) -> (0, 0, 0)>
module attributes {stable_mosaic.version = 14 : i64} {
  func.func @k(%arg0: i32, %arg1: i32, %arg2: memref<10000x128xf32, #tpu.memory_space<hbm>>, %arg3: memref<2x327680xi32, #tpu.memory_space<hbm>>, %arg4: memref<2x10240x128xf32, #tpu.memory_space<hbm>>, %arg5: memref<128xi32, #tpu.memory_space<vmem>>, %arg6: memref<128xi32, #tpu.memory_space<vmem>>, %arg7: memref<128xi32, #tpu.memory_space<vmem>>, %arg8: memref<128x128xf32, #tpu.memory_space<vmem>>, %arg9: memref<128x128xf32, #tpu.memory_space<vmem>>, %arg10: memref<10240x128xf32, #tpu.memory_space<vmem_shared>>, %arg11: memref<!tpu.dma_semaphore, #tpu.memory_space<semaphore_mem>>, %arg12: memref<!tpu.dma_semaphore, #tpu.memory_space<semaphore_mem>>, %arg13: memref<!tpu.dma_semaphore, #tpu.memory_space<semaphore_mem>>, %arg14: memref<!tpu.dma_semaphore, #tpu.memory_space<semaphore_mem>>) attributes {dimension_semantics = [#tpu.dimension_semantics<core_parallel>, #tpu.dimension_semantics<subcore_parallel>], iteration_bounds = array<i64: 2, 16>, scalar_prefetch = 0 : i64, scratch_operands = 10 : i64, tpu.core_type = #tpu.core_type<sc_vector_subcore>, window_params = [{transform_indices = #map}, {transform_indices = #map}, {transform_indices = #map1}]} {
    %mul3A = arith.constant 2 : i32
    %mul3A_0 = arith.muli %arg1, %mul3A : i32
    %add3A = arith.addi %mul3A_0, %arg0 : i32
    %mul3A_1 = arith.constant 80 : i32
    %mul3A_2 = arith.muli %add3A, %mul3A_1 : i32
    %add3A_3 = arith.constant 0 : i32
    %add3A_4 = arith.addi %add3A, %add3A_3 : i32
    %mul3A_5 = arith.constant 128 : i32
    %mul3A_6 = arith.muli %add3A_4, %mul3A_5 : i32
    %dma_start3A = arith.constant 0 : i32
    %dma_start3A_7 = tpu.memref_slice %arg3[%dma_start3A, %mul3A_6] : memref<2x327680xi32, #tpu.memory_space<hbm>> -> memref<1x128xi32, #tpu.memory_space<hbm>>
    %dma_start3A_8 = tpu.memref_squeeze %dma_start3A_7 : memref<1x128xi32, #tpu.memory_space<hbm>> -> memref<128xi32, #tpu.memory_space<hbm>>
    %dma_start3A_9 = tpu.memref_slice %arg3[%dma_start3A, %mul3A_6] : memref<2x327680xi32, #tpu.memory_space<hbm>> -> memref<1x128xi32, #tpu.memory_space<hbm>>
    %dma_start3A_10 = tpu.memref_squeeze %dma_start3A_9 : memref<1x128xi32, #tpu.memory_space<hbm>> -> memref<128xi32, #tpu.memory_space<hbm>>
    tpu.enqueue_dma source(%dma_start3A_10 : memref<128xi32, #tpu.memory_space<hbm>>) target(%arg5 : memref<128xi32, #tpu.memory_space<vmem>>) target_semaphore(%arg11 : memref<!tpu.dma_semaphore, #tpu.memory_space<semaphore_mem>>)
    %add3A_11 = arith.constant 32 : i32
    %add3A_12 = arith.addi %add3A, %add3A_11 : i32
    %mul3A_13 = arith.constant 128 : i32
    %mul3A_14 = arith.muli %add3A_12, %mul3A_13 : i32
    %dma_start3A_15 = arith.constant 0 : i32
    %dma_start3A_16 = tpu.memref_slice %arg3[%dma_start3A_15, %mul3A_14] : memref<2x327680xi32, #tpu.memory_space<hbm>> -> memref<1x128xi32, #tpu.memory_space<hbm>>
    %dma_start3A_17 = tpu.memref_squeeze %dma_start3A_16 : memref<1x128xi32, #tpu.memory_space<hbm>> -> memref<128xi32, #tpu.memory_space<hbm>>
    %dma_start3A_18 = tpu.memref_slice %arg3[%dma_start3A_15, %mul3A_14] : memref<2x327680xi32, #tpu.memory_space<hbm>> -> memref<1x128xi32, #tpu.memory_space<hbm>>
    %dma_start3A_19 = tpu.memref_squeeze %dma_start3A_18 : memref<1x128xi32, #tpu.memory_space<hbm>> -> memref<128xi32, #tpu.memory_space<hbm>>
    tpu.enqueue_dma source(%dma_start3A_19 : memref<128xi32, #tpu.memory_space<hbm>>) target(%arg6 : memref<128xi32, #tpu.memory_space<vmem>>) target_semaphore(%arg12 : memref<!tpu.dma_semaphore, #tpu.memory_space<semaphore_mem>>)
    %add3A_20 = arith.constant 0 : i32
    %add3A_21 = arith.addi %add3A, %add3A_20 : i32
    %mul3A_22 = arith.constant 128 : i32
    %mul3A_23 = arith.muli %add3A_21, %mul3A_22 : i32
    %dma_start3A_24 = arith.constant 1 : i32
    %dma_start3A_25 = tpu.memref_slice %arg3[%dma_start3A_24, %mul3A_23] : memref<2x327680xi32, #tpu.memory_space<hbm>> -> memref<1x128xi32, #tpu.memory_space<hbm>>
    %dma_start3A_26 = tpu.memref_squeeze %dma_start3A_25 : memref<1x128xi32, #tpu.memory_space<hbm>> -> memref<128xi32, #tpu.memory_space<hbm>>
    %dma_start3A_27 = tpu.memref_slice %arg3[%dma_start3A_24, %mul3A_23] : memref<2x327680xi32, #tpu.memory_space<hbm>> -> memref<1x128xi32, #tpu.memory_space<hbm>>
    %dma_start3A_28 = tpu.memref_squeeze %dma_start3A_27 : memref<1x128xi32, #tpu.memory_space<hbm>> -> memref<128xi32, #tpu.memory_space<hbm>>
    tpu.enqueue_dma source(%dma_start3A_28 : memref<128xi32, #tpu.memory_space<hbm>>) target(%arg7 : memref<128xi32, #tpu.memory_space<vmem>>) target_semaphore(%arg13 : memref<!tpu.dma_semaphore, #tpu.memory_space<semaphore_mem>>)
    %scan3A = arith.constant 0 : i32
    %scan3A_29 = arith.constant 0 : i32
    %scan3A_30 = arith.constant 128 : i32
    %scan3A_31 = arith.addi %scan3A_29, %scan3A_30 : i32
    %scan3A_32 = arith.constant 1 : i32
    scf.for %scan3A_73 = %scan3A_29 to %scan3A_31 step %scan3A_32  : i32 {
      %broadcast_in_dim3A = arith.constant 0.000000e+00 : f32
      %broadcast_in_dim3A_74 = vector.broadcast %broadcast_in_dim3A : f32 to vector<16xf32>
      %swap3A = arith.index_cast %scan3A_73 : i32 to index
      %swap3A_75 = arith.constant 0 : index
      %swap3A_76 = tpu.vector_load %arg9[%swap3A, %swap3A_75] {strides = array<i32>} : memref<128x128xf32, #tpu.memory_space<vmem>>, vector<1x16xf32>,
      %swap3A_77 = vector.shape_cast %swap3A_76 : vector<1x16xf32> to vector<16xf32>
      %swap3A_78 = vector.shape_cast %broadcast_in_dim3A_74 : vector<16xf32> to vector<1x16xf32>
      tpu.vector_store %arg9[%swap3A, %swap3A_75], %swap3A_78 {strides = array<i32>} : memref<128x128xf32, #tpu.memory_space<vmem>>, vector<1x16xf32>,
      %broadcast_in_dim3A_79 = arith.constant 0.000000e+00 : f32
      %broadcast_in_dim3A_80 = vector.broadcast %broadcast_in_dim3A_79 : f32 to vector<16xf32>
      %swap3A_81 = arith.index_cast %scan3A_73 : i32 to index
      %swap3A_82 = arith.constant 16 : index
      %swap3A_83 = tpu.vector_load %arg9[%swap3A_81, %swap3A_82] {strides = array<i32>} : memref<128x128xf32, #tpu.memory_space<vmem>>, vector<1x16xf32>,
      %swap3A_84 = vector.shape_cast %swap3A_83 : vector<1x16xf32> to vector<16xf32>
      %swap3A_85 = vector.shape_cast %broadcast_in_dim3A_80 : vector<16xf32> to vector<1x16xf32>
      tpu.vector_store %arg9[%swap3A_81, %swap3A_82], %swap3A_85 {strides = array<i32>} : memref<128x128xf32, #tpu.memory_space<vmem>>, vector<1x16xf32>,
      %broadcast_in_dim3A_86 = arith.constant 0.000000e+00 : f32
      %broadcast_in_dim3A_87 = vector.broadcast %broadcast_in_dim3A_86 : f32 to vector<16xf32>
      %swap3A_88 = arith.index_cast %scan3A_73 : i32 to index
      %swap3A_89 = arith.constant 32 : index
      %swap3A_90 = tpu.vector_load %arg9[%swap3A_88, %swap3A_89] {strides = array<i32>} : memref<128x128xf32, #tpu.memory_space<vmem>>, vector<1x16xf32>,
      %swap3A_91 = vector.shape_cast %swap3A_90 : vector<1x16xf32> to vector<16xf32>
      %swap3A_92 = vector.shape_cast %broadcast_in_dim3A_87 : vector<16xf32> to vector<1x16xf32>
      tpu.vector_store %arg9[%swap3A_88, %swap3A_89], %swap3A_92 {strides = array<i32>} : memref<128x128xf32, #tpu.memory_space<vmem>>, vector<1x16xf32>,
      %broadcast_in_dim3A_93 = arith.constant 0.000000e+00 : f32
      %broadcast_in_dim3A_94 = vector.broadcast %broadcast_in_dim3A_93 : f32 to vector<16xf32>
      %swap3A_95 = arith.index_cast %scan3A_73 : i32 to index
      %swap3A_96 = arith.constant 48 : index
      %swap3A_97 = tpu.vector_load %arg9[%swap3A_95, %swap3A_96] {strides = array<i32>} : memref<128x128xf32, #tpu.memory_space<vmem>>, vector<1x16xf32>,
      %swap3A_98 = vector.shape_cast %swap3A_97 : vector<1x16xf32> to vector<16xf32>
      %swap3A_99 = vector.shape_cast %broadcast_in_dim3A_94 : vector<16xf32> to vector<1x16xf32>
      tpu.vector_store %arg9[%swap3A_95, %swap3A_96], %swap3A_99 {strides = array<i32>} : memref<128x128xf32, #tpu.memory_space<vmem>>, vector<1x16xf32>,
      %broadcast_in_dim3A_100 = arith.constant 0.000000e+00 : f32
      %broadcast_in_dim3A_101 = vector.broadcast %broadcast_in_dim3A_100 : f32 to vector<16xf32>
      %swap3A_102 = arith.index_cast %scan3A_73 : i32 to index
      %swap3A_103 = arith.constant 64 : index
      %swap3A_104 = tpu.vector_load %arg9[%swap3A_102, %swap3A_103] {strides = array<i32>} : memref<128x128xf32, #tpu.memory_space<vmem>>, vector<1x16xf32>,
      %swap3A_105 = vector.shape_cast %swap3A_104 : vector<1x16xf32> to vector<16xf32>
      %swap3A_106 = vector.shape_cast %broadcast_in_dim3A_101 : vector<16xf32> to vector<1x16xf32>
      tpu.vector_store %arg9[%swap3A_102, %swap3A_103], %swap3A_106 {strides = array<i32>} : memref<128x128xf32, #tpu.memory_space<vmem>>, vector<1x16xf32>,
      %broadcast_in_dim3A_107 = arith.constant 0.000000e+00 : f32
      %broadcast_in_dim3A_108 = vector.broadcast %broadcast_in_dim3A_107 : f32 to vector<16xf32>
      %swap3A_109 = arith.index_cast %scan3A_73 : i32 to index
      %swap3A_110 = arith.constant 80 : index
      %swap3A_111 = tpu.vector_load %arg9[%swap3A_109, %swap3A_110] {strides = array<i32>} : memref<128x128xf32, #tpu.memory_space<vmem>>, vector<1x16xf32>,
      %swap3A_112 = vector.shape_cast %swap3A_111 : vector<1x16xf32> to vector<16xf32>
      %swap3A_113 = vector.shape_cast %broadcast_in_dim3A_108 : vector<16xf32> to vector<1x16xf32>
      tpu.vector_store %arg9[%swap3A_109, %swap3A_110], %swap3A_113 {strides = array<i32>} : memref<128x128xf32, #tpu.memory_space<vmem>>, vector<1x16xf32>,
      %broadcast_in_dim3A_114 = arith.constant 0.000000e+00 : f32
      %broadcast_in_dim3A_115 = vector.broadcast %broadcast_in_dim3A_114 : f32 to vector<16xf32>
      %swap3A_116 = arith.index_cast %scan3A_73 : i32 to index
      %swap3A_117 = arith.constant 96 : index
      %swap3A_118 = tpu.vector_load %arg9[%swap3A_116, %swap3A_117] {strides = array<i32>} : memref<128x128xf32, #tpu.memory_space<vmem>>, vector<1x16xf32>,
      %swap3A_119 = vector.shape_cast %swap3A_118 : vector<1x16xf32> to vector<16xf32>
      %swap3A_120 = vector.shape_cast %broadcast_in_dim3A_115 : vector<16xf32> to vector<1x16xf32>
      tpu.vector_store %arg9[%swap3A_116, %swap3A_117], %swap3A_120 {strides = array<i32>} : memref<128x128xf32, #tpu.memory_space<vmem>>, vector<1x16xf32>,
      %broadcast_in_dim3A_121 = arith.constant 0.000000e+00 : f32
      %broadcast_in_dim3A_122 = vector.broadcast %broadcast_in_dim3A_121 : f32 to vector<16xf32>
      %swap3A_123 = arith.index_cast %scan3A_73 : i32 to index
      %swap3A_124 = arith.constant 112 : index
      %swap3A_125 = tpu.vector_load %arg9[%swap3A_123, %swap3A_124] {strides = array<i32>} : memref<128x128xf32, #tpu.memory_space<vmem>>, vector<1x16xf32>,
      %swap3A_126 = vector.shape_cast %swap3A_125 : vector<1x16xf32> to vector<16xf32>
      %swap3A_127 = vector.shape_cast %broadcast_in_dim3A_122 : vector<16xf32> to vector<1x16xf32>
      tpu.vector_store %arg9[%swap3A_123, %swap3A_124], %swap3A_127 {strides = array<i32>} : memref<128x128xf32, #tpu.memory_space<vmem>>, vector<1x16xf32>,
    }
    %scan3A_33 = arith.constant 128 : i32
    %mul3A_34 = arith.constant 640 : i32
    %mul3A_35 = arith.muli %arg1, %mul3A_34 : i32
    %add3A_36 = arith.constant 0 : i32
    %add3A_37 = arith.addi %mul3A_35, %add3A_36 : i32
    "tpu.region"() ({
      %run_scoped3A = tpu.sem_alloc : memref<!tpu.dma_semaphore, #tpu.memory_space<semaphore_mem>>
      %dma_start3A_73 = arith.constant 0 : i32
      %dma_start3A_74 = tpu.memref_slice %arg10[%add3A_37, %dma_start3A_73] : memref<10240x128xf32, #tpu.memory_space<vmem_shared>> -> memref<128x128xf32, #tpu.memory_space<vmem_shared>>
      %dma_start3A_75 = arith.constant 0 : i32
      %dma_start3A_76 = tpu.memref_slice %arg10[%add3A_37, %dma_start3A_75] : memref<10240x128xf32, #tpu.memory_space<vmem_shared>> -> memref<128x128xf32, #tpu.memory_space<vmem_shared>>
      tpu.enqueue_dma source(%arg9 : memref<128x128xf32, #tpu.memory_space<vmem>>) target(%dma_start3A_76 : memref<128x128xf32, #tpu.memory_space<vmem_shared>>) target_semaphore(%run_scoped3A : memref<!tpu.dma_semaphore, #tpu.memory_space<semaphore_mem>>)
      %dma_wait3A = arith.constant 0 : i32
      %dma_wait3A_77 = tpu.memref_slice %arg10[%add3A_37, %dma_wait3A] : memref<10240x128xf32, #tpu.memory_space<vmem_shared>> -> memref<128x128xf32, #tpu.memory_space<vmem_shared>>
      %dma_wait3A_78 = arith.constant 0 : i32
      %dma_wait3A_79 = tpu.memref_slice %arg10[%add3A_37, %dma_wait3A_78] : memref<10240x128xf32, #tpu.memory_space<vmem_shared>> -> memref<128x128xf32, #tpu.memory_space<vmem_shared>>
      tpu.wait_dma2 semaphore(%run_scoped3A : memref<!tpu.dma_semaphore, #tpu.memory_space<semaphore_mem>>) src(%arg9 : memref<128x128xf32, #tpu.memory_space<vmem>>) dst(%dma_wait3A_79 : memref<128x128xf32, #tpu.memory_space<vmem_shared>>)
      tpu.yield
    }) : () -> ()
    %add3A_38 = arith.constant 128 : i32
    %add3A_39 = arith.addi %mul3A_35, %add3A_38 : i32
    "tpu.region"() ({
      %run_scoped3A = tpu.sem_alloc : memref<!tpu.dma_semaphore, #tpu.memory_space<semaphore_mem>>
      %dma_start3A_73 = arith.constant 0 : i32
      %dma_start3A_74 = tpu.memref_slice %arg10[%add3A_39, %dma_start3A_73] : memref<10240x128xf32, #tpu.memory_space<vmem_shared>> -> memref<128x128xf32, #tpu.memory_space<vmem_shared>>
      %dma_start3A_75 = arith.constant 0 : i32
      %dma_start3A_76 = tpu.memref_slice %arg10[%add3A_39, %dma_start3A_75] : memref<10240x128xf32, #tpu.memory_space<vmem_shared>> -> memref<128x128xf32, #tpu.memory_space<vmem_shared>>
      tpu.enqueue_dma source(%arg9 : memref<128x128xf32, #tpu.memory_space<vmem>>) target(%dma_start3A_76 : memref<128x128xf32, #tpu.memory_space<vmem_shared>>) target_semaphore(%run_scoped3A : memref<!tpu.dma_semaphore, #tpu.memory_space<semaphore_mem>>)
      %dma_wait3A = arith.constant 0 : i32
      %dma_wait3A_77 = tpu.memref_slice %arg10[%add3A_39, %dma_wait3A] : memref<10240x128xf32, #tpu.memory_space<vmem_shared>> -> memref<128x128xf32, #tpu.memory_space<vmem_shared>>
      %dma_wait3A_78 = arith.constant 0 : i32
      %dma_wait3A_79 = tpu.memref_slice %arg10[%add3A_39, %dma_wait3A_78] : memref<10240x128xf32, #tpu.memory_space<vmem_shared>> -> memref<128x128xf32, #tpu.memory_space<vmem_shared>>
      tpu.wait_dma2 semaphore(%run_scoped3A : memref<!tpu.dma_semaphore, #tpu.memory_space<semaphore_mem>>) src(%arg9 : memref<128x128xf32, #tpu.memory_space<vmem>>) dst(%dma_wait3A_79 : memref<128x128xf32, #tpu.memory_space<vmem_shared>>)
      tpu.yield
    }) : () -> ()
    %add3A_40 = arith.constant 256 : i32
    %add3A_41 = arith.addi %mul3A_35, %add3A_40 : i32
    "tpu.region"() ({
      %run_scoped3A = tpu.sem_alloc : memref<!tpu.dma_semaphore, #tpu.memory_space<semaphore_mem>>
      %dma_start3A_73 = arith.constant 0 : i32
      %dma_start3A_74 = tpu.memref_slice %arg10[%add3A_41, %dma_start3A_73] : memref<10240x128xf32, #tpu.memory_space<vmem_shared>> -> memref<128x128xf32, #tpu.memory_space<vmem_shared>>
      %dma_start3A_75 = arith.constant 0 : i32
      %dma_start3A_76 = tpu.memref_slice %arg10[%add3A_41, %dma_start3A_75] : memref<10240x128xf32, #tpu.memory_space<vmem_shared>> -> memref<128x128xf32, #tpu.memory_space<vmem_shared>>
      tpu.enqueue_dma source(%arg9 : memref<128x128xf32, #tpu.memory_space<vmem>>) target(%dma_start3A_76 : memref<128x128xf32, #tpu.memory_space<vmem_shared>>) target_semaphore(%run_scoped3A : memref<!tpu.dma_semaphore, #tpu.memory_space<semaphore_mem>>)
      %dma_wait3A = arith.constant 0 : i32
      %dma_wait3A_77 = tpu.memref_slice %arg10[%add3A_41, %dma_wait3A] : memref<10240x128xf32, #tpu.memory_space<vmem_shared>> -> memref<128x128xf32, #tpu.memory_space<vmem_shared>>
      %dma_wait3A_78 = arith.constant 0 : i32
      %dma_wait3A_79 = tpu.memref_slice %arg10[%add3A_41, %dma_wait3A_78] : memref<10240x128xf32, #tpu.memory_space<vmem_shared>> -> memref<128x128xf32, #tpu.memory_space<vmem_shared>>
      tpu.wait_dma2 semaphore(%run_scoped3A : memref<!tpu.dma_semaphore, #tpu.memory_space<semaphore_mem>>) src(%arg9 : memref<128x128xf32, #tpu.memory_space<vmem>>) dst(%dma_wait3A_79 : memref<128x128xf32, #tpu.memory_space<vmem_shared>>)
      tpu.yield
    }) : () -> ()
    %add3A_42 = arith.constant 384 : i32
    %add3A_43 = arith.addi %mul3A_35, %add3A_42 : i32
    "tpu.region"() ({
      %run_scoped3A = tpu.sem_alloc : memref<!tpu.dma_semaphore, #tpu.memory_space<semaphore_mem>>
      %dma_start3A_73 = arith.constant 0 : i32
      %dma_start3A_74 = tpu.memref_slice %arg10[%add3A_43, %dma_start3A_73] : memref<10240x128xf32, #tpu.memory_space<vmem_shared>> -> memref<128x128xf32, #tpu.memory_space<vmem_shared>>
      %dma_start3A_75 = arith.constant 0 : i32
      %dma_start3A_76 = tpu.memref_slice %arg10[%add3A_43, %dma_start3A_75] : memref<10240x128xf32, #tpu.memory_space<vmem_shared>> -> memref<128x128xf32, #tpu.memory_space<vmem_shared>>
      tpu.enqueue_dma source(%arg9 : memref<128x128xf32, #tpu.memory_space<vmem>>) target(%dma_start3A_76 : memref<128x128xf32, #tpu.memory_space<vmem_shared>>) target_semaphore(%run_scoped3A : memref<!tpu.dma_semaphore, #tpu.memory_space<semaphore_mem>>)
      %dma_wait3A = arith.constant 0 : i32
      %dma_wait3A_77 = tpu.memref_slice %arg10[%add3A_43, %dma_wait3A] : memref<10240x128xf32, #tpu.memory_space<vmem_shared>> -> memref<128x128xf32, #tpu.memory_space<vmem_shared>>
      %dma_wait3A_78 = arith.constant 0 : i32
      %dma_wait3A_79 = tpu.memref_slice %arg10[%add3A_43, %dma_wait3A_78] : memref<10240x128xf32, #tpu.memory_space<vmem_shared>> -> memref<128x128xf32, #tpu.memory_space<vmem_shared>>
      tpu.wait_dma2 semaphore(%run_scoped3A : memref<!tpu.dma_semaphore, #tpu.memory_space<semaphore_mem>>) src(%arg9 : memref<128x128xf32, #tpu.memory_space<vmem>>) dst(%dma_wait3A_79 : memref<128x128xf32, #tpu.memory_space<vmem_shared>>)
      tpu.yield
    }) : () -> ()
    %add3A_44 = arith.constant 512 : i32
    %add3A_45 = arith.addi %mul3A_35, %add3A_44 : i32
    "tpu.region"() ({
      %run_scoped3A = tpu.sem_alloc : memref<!tpu.dma_semaphore, #tpu.memory_space<semaphore_mem>>
      %dma_start3A_73 = arith.constant 0 : i32
      %dma_start3A_74 = tpu.memref_slice %arg10[%add3A_45, %dma_start3A_73] : memref<10240x128xf32, #tpu.memory_space<vmem_shared>> -> memref<128x128xf32, #tpu.memory_space<vmem_shared>>
      %dma_start3A_75 = arith.constant 0 : i32
      %dma_start3A_76 = tpu.memref_slice %arg10[%add3A_45, %dma_start3A_75] : memref<10240x128xf32, #tpu.memory_space<vmem_shared>> -> memref<128x128xf32, #tpu.memory_space<vmem_shared>>
      tpu.enqueue_dma source(%arg9 : memref<128x128xf32, #tpu.memory_space<vmem>>) target(%dma_start3A_76 : memref<128x128xf32, #tpu.memory_space<vmem_shared>>) target_semaphore(%run_scoped3A : memref<!tpu.dma_semaphore, #tpu.memory_space<semaphore_mem>>)
      %dma_wait3A = arith.constant 0 : i32
      %dma_wait3A_77 = tpu.memref_slice %arg10[%add3A_45, %dma_wait3A] : memref<10240x128xf32, #tpu.memory_space<vmem_shared>> -> memref<128x128xf32, #tpu.memory_space<vmem_shared>>
      %dma_wait3A_78 = arith.constant 0 : i32
      %dma_wait3A_79 = tpu.memref_slice %arg10[%add3A_45, %dma_wait3A_78] : memref<10240x128xf32, #tpu.memory_space<vmem_shared>> -> memref<128x128xf32, #tpu.memory_space<vmem_shared>>
      tpu.wait_dma2 semaphore(%run_scoped3A : memref<!tpu.dma_semaphore, #tpu.memory_space<semaphore_mem>>) src(%arg9 : memref<128x128xf32, #tpu.memory_space<vmem>>) dst(%dma_wait3A_79 : memref<128x128xf32, #tpu.memory_space<vmem_shared>>)
      tpu.yield
    }) : () -> ()
    %barrier3A = arith.constant 0 : index
    tpu.barrier barrier_id(%barrier3A)
    %scan3A_46 = arith.constant 0 : i32
    %scan3A_47 = arith.constant 0 : i32
    %scan3A_48 = arith.constant 40 : i32
    %scan3A_49 = arith.addi %scan3A_47, %scan3A_48 : i32
    %scan3A_50 = arith.constant 1 : i32
    scf.for %scan3A_73 = %scan3A_47 to %scan3A_49 step %scan3A_50  : i32 {
      %mul3A_74 = arith.constant 2 : i32
      %mul3A_75 = arith.muli %mul3A_74, %scan3A_73 : i32
      %add3A_76 = arith.constant 0 : i32
      %add3A_77 = arith.addi %mul3A_75, %add3A_76 : i32
      %mul3A_78 = arith.constant 32 : i32
      %mul3A_79 = arith.muli %mul3A_78, %add3A_77 : i32
      %add3A_80 = arith.addi %add3A, %mul3A_79 : i32
      %mul3A_81 = arith.constant 128 : i32
      %mul3A_82 = arith.muli %add3A_80, %mul3A_81 : i32
      %dma_wait3A = arith.constant 0 : i32
      %dma_wait3A_83 = tpu.memref_slice %arg3[%dma_wait3A, %mul3A_82] : memref<2x327680xi32, #tpu.memory_space<hbm>> -> memref<1x128xi32, #tpu.memory_space<hbm>>
      %dma_wait3A_84 = tpu.memref_squeeze %dma_wait3A_83 : memref<1x128xi32, #tpu.memory_space<hbm>> -> memref<128xi32, #tpu.memory_space<hbm>>
      %dma_wait3A_85 = tpu.memref_slice %arg3[%dma_wait3A, %mul3A_82] : memref<2x327680xi32, #tpu.memory_space<hbm>> -> memref<1x128xi32, #tpu.memory_space<hbm>>
      %dma_wait3A_86 = tpu.memref_squeeze %dma_wait3A_85 : memref<1x128xi32, #tpu.memory_space<hbm>> -> memref<128xi32, #tpu.memory_space<hbm>>
      tpu.wait_dma2 semaphore(%arg11 : memref<!tpu.dma_semaphore, #tpu.memory_space<semaphore_mem>>) src(%dma_wait3A_86 : memref<128xi32, #tpu.memory_space<hbm>>) dst(%arg5 : memref<128xi32, #tpu.memory_space<vmem>>)
      %mul3A_87 = arith.constant 32 : i32
      %mul3A_88 = arith.muli %mul3A_87, %add3A_77 : i32
      %add3A_89 = arith.addi %add3A, %mul3A_88 : i32
      %mul3A_90 = arith.constant 128 : i32
      %mul3A_91 = arith.muli %add3A_89, %mul3A_90 : i32
      %dma_wait3A_92 = arith.constant 1 : i32
      %dma_wait3A_93 = tpu.memref_slice %arg3[%dma_wait3A_92, %mul3A_91] : memref<2x327680xi32, #tpu.memory_space<hbm>> -> memref<1x128xi32, #tpu.memory_space<hbm>>
      %dma_wait3A_94 = tpu.memref_squeeze %dma_wait3A_93 : memref<1x128xi32, #tpu.memory_space<hbm>> -> memref<128xi32, #tpu.memory_space<hbm>>
      %dma_wait3A_95 = tpu.memref_slice %arg3[%dma_wait3A_92, %mul3A_91] : memref<2x327680xi32, #tpu.memory_space<hbm>> -> memref<1x128xi32, #tpu.memory_space<hbm>>
      %dma_wait3A_96 = tpu.memref_squeeze %dma_wait3A_95 : memref<1x128xi32, #tpu.memory_space<hbm>> -> memref<128xi32, #tpu.memory_space<hbm>>
      tpu.wait_dma2 semaphore(%arg13 : memref<!tpu.dma_semaphore, #tpu.memory_space<semaphore_mem>>) src(%dma_wait3A_96 : memref<128xi32, #tpu.memory_space<hbm>>) dst(%arg7 : memref<128xi32, #tpu.memory_space<vmem>>)
      %dma_start3A_97 = arith.constant 0 : i32
      %dma_start3A_98 = arith.constant 0 : i32
      %dma_start3A_99 = tpu.memref_slice %arg2[%dma_start3A_97, %dma_start3A_98] : memref<10000x128xf32, #tpu.memory_space<hbm>> -> memref<10000x128xf32, #tpu.memory_space<hbm>>
      tpu.enqueue_indirect_dma source(%dma_start3A_99 : memref<10000x128xf32, #tpu.memory_space<hbm>>) target(%arg8 : memref<128x128xf32, #tpu.memory_space<vmem>>) offsets(%arg5 : memref<128xi32, #tpu.memory_space<vmem>>) semaphore(%arg14 : memref<!tpu.dma_semaphore, #tpu.memory_space<semaphore_mem>>)
      %dma_wait3A_100 = arith.constant 0 : i32
      %dma_wait3A_101 = arith.constant 0 : i32
      %dma_wait3A_102 = tpu.memref_slice %arg2[%dma_wait3A_100, %dma_wait3A_101] : memref<10000x128xf32, #tpu.memory_space<hbm>> -> memref<10000x128xf32, #tpu.memory_space<hbm>>
      tpu.wait_indirect_dma semaphore(%arg14 : memref<!tpu.dma_semaphore, #tpu.memory_space<semaphore_mem>>) src(%dma_wait3A_102 : memref<10000x128xf32, #tpu.memory_space<hbm>>) dst(%arg8 : memref<128x128xf32, #tpu.memory_space<vmem>>)
      "tpu.region"() ({
        %run_scoped3A = tpu.sem_alloc : memref<!tpu.dma_semaphore, #tpu.memory_space<semaphore_mem>>
        %dma_start3A_158 = arith.constant 0 : i32
        %dma_start3A_159 = arith.constant 0 : i32
        %dma_start3A_160 = tpu.memref_slice %arg10[%dma_start3A_158, %dma_start3A_159] : memref<10240x128xf32, #tpu.memory_space<vmem_shared>> -> memref<10240x128xf32, #tpu.memory_space<vmem_shared>>
        tpu.enqueue_indirect_dma source(%arg8 : memref<128x128xf32, #tpu.memory_space<vmem>>) target(%dma_start3A_160 : memref<10240x128xf32, #tpu.memory_space<vmem_shared>>) offsets(%arg7 : memref<128xi32, #tpu.memory_space<vmem>>) semaphore(%run_scoped3A : memref<!tpu.dma_semaphore, #tpu.memory_space<semaphore_mem>>) {add = true}
        %dma_wait3A_161 = arith.constant 0 : i32
        %dma_wait3A_162 = arith.constant 0 : i32
        %dma_wait3A_163 = tpu.memref_slice %arg10[%dma_wait3A_161, %dma_wait3A_162] : memref<10240x128xf32, #tpu.memory_space<vmem_shared>> -> memref<10240x128xf32, #tpu.memory_space<vmem_shared>>
        tpu.wait_indirect_dma semaphore(%run_scoped3A : memref<!tpu.dma_semaphore, #tpu.memory_space<semaphore_mem>>) src(%arg8 : memref<128x128xf32, #tpu.memory_space<vmem>>) dst(%dma_wait3A_163 : memref<10240x128xf32, #tpu.memory_space<vmem_shared>>)
        tpu.yield
      }) : () -> ()
      %add3A_103 = arith.constant 1 : i32
      %add3A_104 = arith.addi %add3A_77, %add3A_103 : i32
      %lt3A = arith.constant 80 : i32
      %lt3A_105 = arith.cmpi slt, %add3A_104, %lt3A : i32
      %convert_element_type3A = arith.extui %lt3A_105 : i1 to i32
      %cond3A = arith.constant 0 : i32
      %cond3A_106 = arith.cmpi ne, %convert_element_type3A, %cond3A : i32
      scf.if %cond3A_106 {
        %add3A_158 = arith.constant 1 : i32
        %add3A_159 = arith.addi %add3A_77, %add3A_158 : i32
        %mul3A_160 = arith.constant 32 : i32
        %mul3A_161 = arith.muli %mul3A_160, %add3A_159 : i32
        %add3A_162 = arith.addi %add3A, %mul3A_161 : i32
        %mul3A_163 = arith.constant 128 : i32
        %mul3A_164 = arith.muli %add3A_162, %mul3A_163 : i32
        %dma_start3A_165 = arith.constant 1 : i32
        %dma_start3A_166 = tpu.memref_slice %arg3[%dma_start3A_165, %mul3A_164] : memref<2x327680xi32, #tpu.memory_space<hbm>> -> memref<1x128xi32, #tpu.memory_space<hbm>>
        %dma_start3A_167 = tpu.memref_squeeze %dma_start3A_166 : memref<1x128xi32, #tpu.memory_space<hbm>> -> memref<128xi32, #tpu.memory_space<hbm>>
        %dma_start3A_168 = tpu.memref_slice %arg3[%dma_start3A_165, %mul3A_164] : memref<2x327680xi32, #tpu.memory_space<hbm>> -> memref<1x128xi32, #tpu.memory_space<hbm>>
        %dma_start3A_169 = tpu.memref_squeeze %dma_start3A_168 : memref<1x128xi32, #tpu.memory_space<hbm>> -> memref<128xi32, #tpu.memory_space<hbm>>
        tpu.enqueue_dma source(%dma_start3A_169 : memref<128xi32, #tpu.memory_space<hbm>>) target(%arg7 : memref<128xi32, #tpu.memory_space<vmem>>) target_semaphore(%arg13 : memref<!tpu.dma_semaphore, #tpu.memory_space<semaphore_mem>>)
      } else {
      }
      %add3A_107 = arith.constant 2 : i32
      %add3A_108 = arith.addi %add3A_77, %add3A_107 : i32
      %lt3A_109 = arith.constant 80 : i32
      %lt3A_110 = arith.cmpi slt, %add3A_108, %lt3A_109 : i32
      %convert_element_type3A_111 = arith.extui %lt3A_110 : i1 to i32
      %cond3A_112 = arith.constant 0 : i32
      %cond3A_113 = arith.cmpi ne, %convert_element_type3A_111, %cond3A_112 : i32
      scf.if %cond3A_113 {
        %add3A_158 = arith.constant 2 : i32
        %add3A_159 = arith.addi %add3A_77, %add3A_158 : i32
        %mul3A_160 = arith.constant 32 : i32
        %mul3A_161 = arith.muli %mul3A_160, %add3A_159 : i32
        %add3A_162 = arith.addi %add3A, %mul3A_161 : i32
        %mul3A_163 = arith.constant 128 : i32
        %mul3A_164 = arith.muli %add3A_162, %mul3A_163 : i32
        %dma_start3A_165 = arith.constant 0 : i32
        %dma_start3A_166 = tpu.memref_slice %arg3[%dma_start3A_165, %mul3A_164] : memref<2x327680xi32, #tpu.memory_space<hbm>> -> memref<1x128xi32, #tpu.memory_space<hbm>>
        %dma_start3A_167 = tpu.memref_squeeze %dma_start3A_166 : memref<1x128xi32, #tpu.memory_space<hbm>> -> memref<128xi32, #tpu.memory_space<hbm>>
        %dma_start3A_168 = tpu.memref_slice %arg3[%dma_start3A_165, %mul3A_164] : memref<2x327680xi32, #tpu.memory_space<hbm>> -> memref<1x128xi32, #tpu.memory_space<hbm>>
        %dma_start3A_169 = tpu.memref_squeeze %dma_start3A_168 : memref<1x128xi32, #tpu.memory_space<hbm>> -> memref<128xi32, #tpu.memory_space<hbm>>
        tpu.enqueue_dma source(%dma_start3A_169 : memref<128xi32, #tpu.memory_space<hbm>>) target(%arg5 : memref<128xi32, #tpu.memory_space<vmem>>) target_semaphore(%arg11 : memref<!tpu.dma_semaphore, #tpu.memory_space<semaphore_mem>>)
      } else {
      }
      %mul3A_114 = arith.constant 2 : i32
      %mul3A_115 = arith.muli %mul3A_114, %scan3A_73 : i32
      %add3A_116 = arith.constant 1 : i32
      %add3A_117 = arith.addi %mul3A_115, %add3A_116 : i32
      %mul3A_118 = arith.constant 32 : i32
      %mul3A_119 = arith.muli %mul3A_118, %add3A_117 : i32
      %add3A_120 = arith.addi %add3A, %mul3A_119 : i32
      %mul3A_121 = arith.constant 128 : i32
      %mul3A_122 = arith.muli %add3A_120, %mul3A_121 : i32
      %dma_wait3A_123 = arith.constant 0 : i32
      %dma_wait3A_124 = tpu.memref_slice %arg3[%dma_wait3A_123, %mul3A_122] : memref<2x327680xi32, #tpu.memory_space<hbm>> -> memref<1x128xi32, #tpu.memory_space<hbm>>
      %dma_wait3A_125 = tpu.memref_squeeze %dma_wait3A_124 : memref<1x128xi32, #tpu.memory_space<hbm>> -> memref<128xi32, #tpu.memory_space<hbm>>
      %dma_wait3A_126 = tpu.memref_slice %arg3[%dma_wait3A_123, %mul3A_122] : memref<2x327680xi32, #tpu.memory_space<hbm>> -> memref<1x128xi32, #tpu.memory_space<hbm>>
      %dma_wait3A_127 = tpu.memref_squeeze %dma_wait3A_126 : memref<1x128xi32, #tpu.memory_space<hbm>> -> memref<128xi32, #tpu.memory_space<hbm>>
      tpu.wait_dma2 semaphore(%arg12 : memref<!tpu.dma_semaphore, #tpu.memory_space<semaphore_mem>>) src(%dma_wait3A_127 : memref<128xi32, #tpu.memory_space<hbm>>) dst(%arg6 : memref<128xi32, #tpu.memory_space<vmem>>)
      %mul3A_128 = arith.constant 32 : i32
      %mul3A_129 = arith.muli %mul3A_128, %add3A_117 : i32
      %add3A_130 = arith.addi %add3A, %mul3A_129 : i32
      %mul3A_131 = arith.constant 128 : i32
      %mul3A_132 = arith.muli %add3A_130, %mul3A_131 : i32
      %dma_wait3A_133 = arith.constant 1 : i32
      %dma_wait3A_134 = tpu.memref_slice %arg3[%dma_wait3A_133, %mul3A_132] : memref<2x327680xi32, #tpu.memory_space<hbm>> -> memref<1x128xi32, #tpu.memory_space<hbm>>
      %dma_wait3A_135 = tpu.memref_squeeze %dma_wait3A_134 : memref<1x128xi32, #tpu.memory_space<hbm>> -> memref<128xi32, #tpu.memory_space<hbm>>
      %dma_wait3A_136 = tpu.memref_slice %arg3[%dma_wait3A_133, %mul3A_132] : memref<2x327680xi32, #tpu.memory_space<hbm>> -> memref<1x128xi32, #tpu.memory_space<hbm>>
      %dma_wait3A_137 = tpu.memref_squeeze %dma_wait3A_136 : memref<1x128xi32, #tpu.memory_space<hbm>> -> memref<128xi32, #tpu.memory_space<hbm>>
      tpu.wait_dma2 semaphore(%arg13 : memref<!tpu.dma_semaphore, #tpu.memory_space<semaphore_mem>>) src(%dma_wait3A_137 : memref<128xi32, #tpu.memory_space<hbm>>) dst(%arg7 : memref<128xi32, #tpu.memory_space<vmem>>)
      %dma_start3A_138 = arith.constant 0 : i32
      %dma_start3A_139 = arith.constant 0 : i32
      %dma_start3A_140 = tpu.memref_slice %arg2[%dma_start3A_138, %dma_start3A_139] : memref<10000x128xf32, #tpu.memory_space<hbm>> -> memref<10000x128xf32, #tpu.memory_space<hbm>>
      tpu.enqueue_indirect_dma source(%dma_start3A_140 : memref<10000x128xf32, #tpu.memory_space<hbm>>) target(%arg8 : memref<128x128xf32, #tpu.memory_space<vmem>>) offsets(%arg6 : memref<128xi32, #tpu.memory_space<vmem>>) semaphore(%arg14 : memref<!tpu.dma_semaphore, #tpu.memory_space<semaphore_mem>>)
      %dma_wait3A_141 = arith.constant 0 : i32
      %dma_wait3A_142 = arith.constant 0 : i32
      %dma_wait3A_143 = tpu.memref_slice %arg2[%dma_wait3A_141, %dma_wait3A_142] : memref<10000x128xf32, #tpu.memory_space<hbm>> -> memref<10000x128xf32, #tpu.memory_space<hbm>>
      tpu.wait_indirect_dma semaphore(%arg14 : memref<!tpu.dma_semaphore, #tpu.memory_space<semaphore_mem>>) src(%dma_wait3A_143 : memref<10000x128xf32, #tpu.memory_space<hbm>>) dst(%arg8 : memref<128x128xf32, #tpu.memory_space<vmem>>)
      "tpu.region"() ({
        %run_scoped3A = tpu.sem_alloc : memref<!tpu.dma_semaphore, #tpu.memory_space<semaphore_mem>>
        %dma_start3A_158 = arith.constant 0 : i32
        %dma_start3A_159 = arith.constant 0 : i32
        %dma_start3A_160 = tpu.memref_slice %arg10[%dma_start3A_158, %dma_start3A_159] : memref<10240x128xf32, #tpu.memory_space<vmem_shared>> -> memref<10240x128xf32, #tpu.memory_space<vmem_shared>>
        tpu.enqueue_indirect_dma source(%arg8 : memref<128x128xf32, #tpu.memory_space<vmem>>) target(%dma_start3A_160 : memref<10240x128xf32, #tpu.memory_space<vmem_shared>>) offsets(%arg7 : memref<128xi32, #tpu.memory_space<vmem>>) semaphore(%run_scoped3A : memref<!tpu.dma_semaphore, #tpu.memory_space<semaphore_mem>>) {add = true}
        %dma_wait3A_161 = arith.constant 0 : i32
        %dma_wait3A_162 = arith.constant 0 : i32
        %dma_wait3A_163 = tpu.memref_slice %arg10[%dma_wait3A_161, %dma_wait3A_162] : memref<10240x128xf32, #tpu.memory_space<vmem_shared>> -> memref<10240x128xf32, #tpu.memory_space<vmem_shared>>
        tpu.wait_indirect_dma semaphore(%run_scoped3A : memref<!tpu.dma_semaphore, #tpu.memory_space<semaphore_mem>>) src(%arg8 : memref<128x128xf32, #tpu.memory_space<vmem>>) dst(%dma_wait3A_163 : memref<10240x128xf32, #tpu.memory_space<vmem_shared>>)
        tpu.yield
      }) : () -> ()
      %add3A_144 = arith.constant 1 : i32
      %add3A_145 = arith.addi %add3A_117, %add3A_144 : i32
      %lt3A_146 = arith.constant 80 : i32
      %lt3A_147 = arith.cmpi slt, %add3A_145, %lt3A_146 : i32
      %convert_element_type3A_148 = arith.extui %lt3A_147 : i1 to i32
      %cond3A_149 = arith.constant 0 : i32
      %cond3A_150 = arith.cmpi ne, %convert_element_type3A_148, %cond3A_149 : i32
      scf.if %cond3A_150 {
        %add3A_158 = arith.constant 1 : i32
        %add3A_159 = arith.addi %add3A_117, %add3A_158 : i32
        %mul3A_160 = arith.constant 32 : i32
        %mul3A_161 = arith.muli %mul3A_160, %add3A_159 : i32
        %add3A_162 = arith.addi %add3A, %mul3A_161 : i32
        %mul3A_163 = arith.constant 128 : i32
        %mul3A_164 = arith.muli %add3A_162, %mul3A_163 : i32
        %dma_start3A_165 = arith.constant 1 : i32
        %dma_start3A_166 = tpu.memref_slice %arg3[%dma_start3A_165, %mul3A_164] : memref<2x327680xi32, #tpu.memory_space<hbm>> -> memref<1x128xi32, #tpu.memory_space<hbm>>
        %dma_start3A_167 = tpu.memref_squeeze %dma_start3A_166 : memref<1x128xi32, #tpu.memory_space<hbm>> -> memref<128xi32, #tpu.memory_space<hbm>>
        %dma_start3A_168 = tpu.memref_slice %arg3[%dma_start3A_165, %mul3A_164] : memref<2x327680xi32, #tpu.memory_space<hbm>> -> memref<1x128xi32, #tpu.memory_space<hbm>>
        %dma_start3A_169 = tpu.memref_squeeze %dma_start3A_168 : memref<1x128xi32, #tpu.memory_space<hbm>> -> memref<128xi32, #tpu.memory_space<hbm>>
        tpu.enqueue_dma source(%dma_start3A_169 : memref<128xi32, #tpu.memory_space<hbm>>) target(%arg7 : memref<128xi32, #tpu.memory_space<vmem>>) target_semaphore(%arg13 : memref<!tpu.dma_semaphore, #tpu.memory_space<semaphore_mem>>)
      } else {
      }
      %add3A_151 = arith.constant 2 : i32
      %add3A_152 = arith.addi %add3A_117, %add3A_151 : i32
      %lt3A_153 = arith.constant 80 : i32
      %lt3A_154 = arith.cmpi slt, %add3A_152, %lt3A_153 : i32
      %convert_element_type3A_155 = arith.extui %lt3A_154 : i1 to i32
      %cond3A_156 = arith.constant 0 : i32
      %cond3A_157 = arith.cmpi ne, %convert_element_type3A_155, %cond3A_156 : i32
      scf.if %cond3A_157 {
        %add3A_158 = arith.constant 2 : i32
        %add3A_159 = arith.addi %add3A_117, %add3A_158 : i32
        %mul3A_160 = arith.constant 32 : i32
        %mul3A_161 = arith.muli %mul3A_160, %add3A_159 : i32
        %add3A_162 = arith.addi %add3A, %mul3A_161 : i32
        %mul3A_163 = arith.constant 128 : i32
        %mul3A_164 = arith.muli %add3A_162, %mul3A_163 : i32
        %dma_start3A_165 = arith.constant 0 : i32
        %dma_start3A_166 = tpu.memref_slice %arg3[%dma_start3A_165, %mul3A_164] : memref<2x327680xi32, #tpu.memory_space<hbm>> -> memref<1x128xi32, #tpu.memory_space<hbm>>
        %dma_start3A_167 = tpu.memref_squeeze %dma_start3A_166 : memref<1x128xi32, #tpu.memory_space<hbm>> -> memref<128xi32, #tpu.memory_space<hbm>>
        %dma_start3A_168 = tpu.memref_slice %arg3[%dma_start3A_165, %mul3A_164] : memref<2x327680xi32, #tpu.memory_space<hbm>> -> memref<1x128xi32, #tpu.memory_space<hbm>>
        %dma_start3A_169 = tpu.memref_squeeze %dma_start3A_168 : memref<1x128xi32, #tpu.memory_space<hbm>> -> memref<128xi32, #tpu.memory_space<hbm>>
        tpu.enqueue_dma source(%dma_start3A_169 : memref<128xi32, #tpu.memory_space<hbm>>) target(%arg6 : memref<128xi32, #tpu.memory_space<vmem>>) target_semaphore(%arg12 : memref<!tpu.dma_semaphore, #tpu.memory_space<semaphore_mem>>)
      } else {
      }
    }
    %scan3A_51 = arith.constant 40 : i32
    %barrier3A_52 = arith.constant 0 : index
    tpu.barrier barrier_id(%barrier3A_52)
    %add3A_53 = arith.constant 0 : i32
    %add3A_54 = arith.addi %mul3A_35, %add3A_53 : i32
    %add3A_55 = arith.constant 0 : i32
    %add3A_56 = arith.addi %mul3A_35, %add3A_55 : i32
    "tpu.region"() ({
      %run_scoped3A = tpu.sem_alloc : memref<!tpu.dma_semaphore, #tpu.memory_space<semaphore_mem>>
      %dma_start3A_73 = arith.constant 0 : i32
      %dma_start3A_74 = tpu.memref_slice %arg4[%arg0, %add3A_56, %dma_start3A_73] : memref<2x10240x128xf32, #tpu.memory_space<hbm>> -> memref<1x128x128xf32, #tpu.memory_space<hbm>>
      %dma_start3A_75 = tpu.memref_squeeze %dma_start3A_74 : memref<1x128x128xf32, #tpu.memory_space<hbm>> -> memref<128x128xf32, #tpu.memory_space<hbm>>
      %dma_start3A_76 = arith.constant 0 : i32
      %dma_start3A_77 = tpu.memref_slice %arg10[%add3A_54, %dma_start3A_76] : memref<10240x128xf32, #tpu.memory_space<vmem_shared>> -> memref<128x128xf32, #tpu.memory_space<vmem_shared>>
      tpu.enqueue_dma source(%dma_start3A_77 : memref<128x128xf32, #tpu.memory_space<vmem_shared>>) target(%dma_start3A_75 : memref<128x128xf32, #tpu.memory_space<hbm>>) target_semaphore(%run_scoped3A : memref<!tpu.dma_semaphore, #tpu.memory_space<semaphore_mem>>)
      %dma_wait3A = arith.constant 0 : i32
      %dma_wait3A_78 = tpu.memref_slice %arg4[%arg0, %add3A_56, %dma_wait3A] : memref<2x10240x128xf32, #tpu.memory_space<hbm>> -> memref<1x128x128xf32, #tpu.memory_space<hbm>>
      %dma_wait3A_79 = tpu.memref_squeeze %dma_wait3A_78 : memref<1x128x128xf32, #tpu.memory_space<hbm>> -> memref<128x128xf32, #tpu.memory_space<hbm>>
      %dma_wait3A_80 = arith.constant 0 : i32
      %dma_wait3A_81 = tpu.memref_slice %arg10[%add3A_54, %dma_wait3A_80] : memref<10240x128xf32, #tpu.memory_space<vmem_shared>> -> memref<128x128xf32, #tpu.memory_space<vmem_shared>>
      tpu.wait_dma2 semaphore(%run_scoped3A : memref<!tpu.dma_semaphore, #tpu.memory_space<semaphore_mem>>) src(%dma_wait3A_81 : memref<128x128xf32, #tpu.memory_space<vmem_shared>>) dst(%dma_wait3A_79 : memref<128x128xf32, #tpu.memory_space<hbm>>)
      tpu.yield
    }) : () -> ()
    %add3A_57 = arith.constant 128 : i32
    %add3A_58 = arith.addi %mul3A_35, %add3A_57 : i32
    %add3A_59 = arith.constant 128 : i32
    %add3A_60 = arith.addi %mul3A_35, %add3A_59 : i32
    "tpu.region"() ({
      %run_scoped3A = tpu.sem_alloc : memref<!tpu.dma_semaphore, #tpu.memory_space<semaphore_mem>>
      %dma_start3A_73 = arith.constant 0 : i32
      %dma_start3A_74 = tpu.memref_slice %arg4[%arg0, %add3A_60, %dma_start3A_73] : memref<2x10240x128xf32, #tpu.memory_space<hbm>> -> memref<1x128x128xf32, #tpu.memory_space<hbm>>
      %dma_start3A_75 = tpu.memref_squeeze %dma_start3A_74 : memref<1x128x128xf32, #tpu.memory_space<hbm>> -> memref<128x128xf32, #tpu.memory_space<hbm>>
      %dma_start3A_76 = arith.constant 0 : i32
      %dma_start3A_77 = tpu.memref_slice %arg10[%add3A_58, %dma_start3A_76] : memref<10240x128xf32, #tpu.memory_space<vmem_shared>> -> memref<128x128xf32, #tpu.memory_space<vmem_shared>>
      tpu.enqueue_dma source(%dma_start3A_77 : memref<128x128xf32, #tpu.memory_space<vmem_shared>>) target(%dma_start3A_75 : memref<128x128xf32, #tpu.memory_space<hbm>>) target_semaphore(%run_scoped3A : memref<!tpu.dma_semaphore, #tpu.memory_space<semaphore_mem>>)
      %dma_wait3A = arith.constant 0 : i32
      %dma_wait3A_78 = tpu.memref_slice %arg4[%arg0, %add3A_60, %dma_wait3A] : memref<2x10240x128xf32, #tpu.memory_space<hbm>> -> memref<1x128x128xf32, #tpu.memory_space<hbm>>
      %dma_wait3A_79 = tpu.memref_squeeze %dma_wait3A_78 : memref<1x128x128xf32, #tpu.memory_space<hbm>> -> memref<128x128xf32, #tpu.memory_space<hbm>>
      %dma_wait3A_80 = arith.constant 0 : i32
      %dma_wait3A_81 = tpu.memref_slice %arg10[%add3A_58, %dma_wait3A_80] : memref<10240x128xf32, #tpu.memory_space<vmem_shared>> -> memref<128x128xf32, #tpu.memory_space<vmem_shared>>
      tpu.wait_dma2 semaphore(%run_scoped3A : memref<!tpu.dma_semaphore, #tpu.memory_space<semaphore_mem>>) src(%dma_wait3A_81 : memref<128x128xf32, #tpu.memory_space<vmem_shared>>) dst(%dma_wait3A_79 : memref<128x128xf32, #tpu.memory_space<hbm>>)
      tpu.yield
    }) : () -> ()
    %add3A_61 = arith.constant 256 : i32
    %add3A_62 = arith.addi %mul3A_35, %add3A_61 : i32
    %add3A_63 = arith.constant 256 : i32
    %add3A_64 = arith.addi %mul3A_35, %add3A_63 : i32
    "tpu.region"() ({
      %run_scoped3A = tpu.sem_alloc : memref<!tpu.dma_semaphore, #tpu.memory_space<semaphore_mem>>
      %dma_start3A_73 = arith.constant 0 : i32
      %dma_start3A_74 = tpu.memref_slice %arg4[%arg0, %add3A_64, %dma_start3A_73] : memref<2x10240x128xf32, #tpu.memory_space<hbm>> -> memref<1x128x128xf32, #tpu.memory_space<hbm>>
      %dma_start3A_75 = tpu.memref_squeeze %dma_start3A_74 : memref<1x128x128xf32, #tpu.memory_space<hbm>> -> memref<128x128xf32, #tpu.memory_space<hbm>>
      %dma_start3A_76 = arith.constant 0 : i32
      %dma_start3A_77 = tpu.memref_slice %arg10[%add3A_62, %dma_start3A_76] : memref<10240x128xf32, #tpu.memory_space<vmem_shared>> -> memref<128x128xf32, #tpu.memory_space<vmem_shared>>
      tpu.enqueue_dma source(%dma_start3A_77 : memref<128x128xf32, #tpu.memory_space<vmem_shared>>) target(%dma_start3A_75 : memref<128x128xf32, #tpu.memory_space<hbm>>) target_semaphore(%run_scoped3A : memref<!tpu.dma_semaphore, #tpu.memory_space<semaphore_mem>>)
      %dma_wait3A = arith.constant 0 : i32
      %dma_wait3A_78 = tpu.memref_slice %arg4[%arg0, %add3A_64, %dma_wait3A] : memref<2x10240x128xf32, #tpu.memory_space<hbm>> -> memref<1x128x128xf32, #tpu.memory_space<hbm>>
      %dma_wait3A_79 = tpu.memref_squeeze %dma_wait3A_78 : memref<1x128x128xf32, #tpu.memory_space<hbm>> -> memref<128x128xf32, #tpu.memory_space<hbm>>
      %dma_wait3A_80 = arith.constant 0 : i32
      %dma_wait3A_81 = tpu.memref_slice %arg10[%add3A_62, %dma_wait3A_80] : memref<10240x128xf32, #tpu.memory_space<vmem_shared>> -> memref<128x128xf32, #tpu.memory_space<vmem_shared>>
      tpu.wait_dma2 semaphore(%run_scoped3A : memref<!tpu.dma_semaphore, #tpu.memory_space<semaphore_mem>>) src(%dma_wait3A_81 : memref<128x128xf32, #tpu.memory_space<vmem_shared>>) dst(%dma_wait3A_79 : memref<128x128xf32, #tpu.memory_space<hbm>>)
      tpu.yield
    }) : () -> ()
    %add3A_65 = arith.constant 384 : i32
    %add3A_66 = arith.addi %mul3A_35, %add3A_65 : i32
    %add3A_67 = arith.constant 384 : i32
    %add3A_68 = arith.addi %mul3A_35, %add3A_67 : i32
    "tpu.region"() ({
      %run_scoped3A = tpu.sem_alloc : memref<!tpu.dma_semaphore, #tpu.memory_space<semaphore_mem>>
      %dma_start3A_73 = arith.constant 0 : i32
      %dma_start3A_74 = tpu.memref_slice %arg4[%arg0, %add3A_68, %dma_start3A_73] : memref<2x10240x128xf32, #tpu.memory_space<hbm>> -> memref<1x128x128xf32, #tpu.memory_space<hbm>>
      %dma_start3A_75 = tpu.memref_squeeze %dma_start3A_74 : memref<1x128x128xf32, #tpu.memory_space<hbm>> -> memref<128x128xf32, #tpu.memory_space<hbm>>
      %dma_start3A_76 = arith.constant 0 : i32
      %dma_start3A_77 = tpu.memref_slice %arg10[%add3A_66, %dma_start3A_76] : memref<10240x128xf32, #tpu.memory_space<vmem_shared>> -> memref<128x128xf32, #tpu.memory_space<vmem_shared>>
      tpu.enqueue_dma source(%dma_start3A_77 : memref<128x128xf32, #tpu.memory_space<vmem_shared>>) target(%dma_start3A_75 : memref<128x128xf32, #tpu.memory_space<hbm>>) target_semaphore(%run_scoped3A : memref<!tpu.dma_semaphore, #tpu.memory_space<semaphore_mem>>)
      %dma_wait3A = arith.constant 0 : i32
      %dma_wait3A_78 = tpu.memref_slice %arg4[%arg0, %add3A_68, %dma_wait3A] : memref<2x10240x128xf32, #tpu.memory_space<hbm>> -> memref<1x128x128xf32, #tpu.memory_space<hbm>>
      %dma_wait3A_79 = tpu.memref_squeeze %dma_wait3A_78 : memref<1x128x128xf32, #tpu.memory_space<hbm>> -> memref<128x128xf32, #tpu.memory_space<hbm>>
      %dma_wait3A_80 = arith.constant 0 : i32
      %dma_wait3A_81 = tpu.memref_slice %arg10[%add3A_66, %dma_wait3A_80] : memref<10240x128xf32, #tpu.memory_space<vmem_shared>> -> memref<128x128xf32, #tpu.memory_space<vmem_shared>>
      tpu.wait_dma2 semaphore(%run_scoped3A : memref<!tpu.dma_semaphore, #tpu.memory_space<semaphore_mem>>) src(%dma_wait3A_81 : memref<128x128xf32, #tpu.memory_space<vmem_shared>>) dst(%dma_wait3A_79 : memref<128x128xf32, #tpu.memory_space<hbm>>)
      tpu.yield
    }) : () -> ()
    %add3A_69 = arith.constant 512 : i32
    %add3A_70 = arith.addi %mul3A_35, %add3A_69 : i32
    %add3A_71 = arith.constant 512 : i32
    %add3A_72 = arith.addi %mul3A_35, %add3A_71 : i32
    "tpu.region"() ({
      %run_scoped3A = tpu.sem_alloc : memref<!tpu.dma_semaphore, #tpu.memory_space<semaphore_mem>>
      %dma_start3A_73 = arith.constant 0 : i32
      %dma_start3A_74 = tpu.memref_slice %arg4[%arg0, %add3A_72, %dma_start3A_73] : memref<2x10240x128xf32, #tpu.memory_space<hbm>> -> memref<1x128x128xf32, #tpu.memory_space<hbm>>
      %dma_start3A_75 = tpu.memref_squeeze %dma_start3A_74 : memref<1x128x128xf32, #tpu.memory_space<hbm>> -> memref<128x128xf32, #tpu.memory_space<hbm>>
      %dma_start3A_76 = arith.constant 0 : i32
      %dma_start3A_77 = tpu.memref_slice %arg10[%add3A_70, %dma_start3A_76] : memref<10240x128xf32, #tpu.memory_space<vmem_shared>> -> memref<128x128xf32, #tpu.memory_space<vmem_shared>>
      tpu.enqueue_dma source(%dma_start3A_77 : memref<128x128xf32, #tpu.memory_space<vmem_shared>>) target(%dma_start3A_75 : memref<128x128xf32, #tpu.memory_space<hbm>>) target_semaphore(%run_scoped3A : memref<!tpu.dma_semaphore, #tpu.memory_space<semaphore_mem>>)
      %dma_wait3A = arith.constant 0 : i32
      %dma_wait3A_78 = tpu.memref_slice %arg4[%arg0, %add3A_72, %dma_wait3A] : memref<2x10240x128xf32, #tpu.memory_space<hbm>> -> memref<1x128x128xf32, #tpu.memory_space<hbm>>
      %dma_wait3A_79 = tpu.memref_squeeze %dma_wait3A_78 : memref<1x128x128xf32, #tpu.memory_space<hbm>> -> memref<128x128xf32, #tpu.memory_space<hbm>>
      %dma_wait3A_80 = arith.constant 0 : i32
      %dma_wait3A_81 = tpu.memref_slice %arg10[%add3A_70, %dma_wait3A_80] : memref<10240x128xf32, #tpu.memory_space<vmem_shared>> -> memref<128x128xf32, #tpu.memory_space<vmem_shared>>
      tpu.wait_dma2 semaphore(%run_scoped3A : memref<!tpu.dma_semaphore, #tpu.memory_space<semaphore_mem>>) src(%dma_wait3A_81 : memref<128x128xf32, #tpu.memory_space<vmem_shared>>) dst(%dma_wait3A_79 : memref<128x128xf32, #tpu.memory_space<hbm>>)
      tpu.yield
    }) : () -> ()
    return
  }
}

module attributes {stable_mosaic.version = 14 : i64} {
  func.func @body(%arg0: memref<10000x128xf32, #tpu.memory_space<vmem>>, %arg1: memref<2x10240x128xf32, #tpu.memory_space<vmem>>, %arg2: memref<128x128xf32, #tpu.memory_space<vmem>>, %arg3: memref<1x128xf32, #tpu.memory_space<vmem>>, %arg4: memref<1x128xf32, #tpu.memory_space<vmem>>, %arg5: memref<1x128xf32, #tpu.memory_space<vmem>>, %arg6: memref<128x128xf32, #tpu.memory_space<vmem>>, %arg7: memref<1x128xf32, #tpu.memory_space<vmem>>, %arg8: memref<10000x128xf32, #tpu.memory_space<vmem>>) attributes {dimension_semantics = [], scalar_prefetch = 0 : i64, scratch_operands = 0 : i64, tpu.core_type = #tpu.core_type<tc>} {
    %get3A = arith.constant 0 : index
    %get3A_0 = arith.constant 0 : index
    %get3A_1 = vector.load %arg0[%get3A, %get3A_0] : memref<10000x128xf32, #tpu.memory_space<vmem>>, vector<10000x128xf32>
    %get3A_2 = arith.constant 0 : index
    %get3A_3 = arith.constant 0 : index
    %get3A_4 = arith.constant 0 : index
    %get3A_5 = vector.load %arg1[%get3A_2, %get3A_3, %get3A_4] : memref<2x10240x128xf32, #tpu.memory_space<vmem>>, vector<1x10000x128xf32>
    %get3A_6 = vector.shape_cast %get3A_5 : vector<1x10000x128xf32> to vector<10000x128xf32>
    %add3A = arith.addf %get3A_1, %get3A_6 : vector<10000x128xf32>
    %get3A_7 = arith.constant 1 : index
    %get3A_8 = arith.constant 0 : index
    %get3A_9 = arith.constant 0 : index
    %get3A_10 = vector.load %arg1[%get3A_7, %get3A_8, %get3A_9] : memref<2x10240x128xf32, #tpu.memory_space<vmem>>, vector<1x10000x128xf32>
    %get3A_11 = vector.shape_cast %get3A_10 : vector<1x10000x128xf32> to vector<10000x128xf32>
    %add3A_12 = arith.addf %add3A, %get3A_11 : vector<10000x128xf32>
    %get3A_13 = arith.constant 0 : index
    %get3A_14 = arith.constant 0 : index
    %get3A_15 = vector.load %arg2[%get3A_13, %get3A_14] : memref<128x128xf32, #tpu.memory_space<vmem>>, vector<128x128xf32>
    %get3A_16 = arith.constant 0 : index
    %get3A_17 = arith.constant 0 : index
    %get3A_18 = vector.load %arg3[%get3A_16, %get3A_17] : memref<1x128xf32, #tpu.memory_space<vmem>>, vector<1x128xf32>
    %get3A_19 = arith.constant 0 : index
    %get3A_20 = arith.constant 0 : index
    %get3A_21 = vector.load %arg4[%get3A_19, %get3A_20] : memref<1x128xf32, #tpu.memory_space<vmem>>, vector<1x128xf32>
    %get3A_22 = arith.constant 0 : index
    %get3A_23 = arith.constant 0 : index
    %get3A_24 = vector.load %arg5[%get3A_22, %get3A_23] : memref<1x128xf32, #tpu.memory_space<vmem>>, vector<1x128xf32>
    %get3A_25 = arith.constant 0 : index
    %get3A_26 = arith.constant 0 : index
    %get3A_27 = vector.load %arg6[%get3A_25, %get3A_26] : memref<128x128xf32, #tpu.memory_space<vmem>>, vector<128x128xf32>
    %get3A_28 = arith.constant 0 : index
    %get3A_29 = arith.constant 0 : index
    %get3A_30 = vector.load %arg7[%get3A_28, %get3A_29] : memref<1x128xf32, #tpu.memory_space<vmem>>, vector<1x128xf32>
    %dot_general3A = arith.constant dense<0.000000e+00> : vector<10000x128xf32>
    %dot_general3A_31 = tpu.matmul %add3A_12, %get3A_15, %dot_general3A {dimension_numbers = #tpu.dot_dimension_numbers<[1], [1], [0], [0], [0, 0, 1, 0], [], []>, transpose_lhs_hint = false} : vector<10000x128xf32>, vector<128x128xf32>, vector<10000x128xf32> -> vector<10000x128xf32>
    %add3A_32 = vector.broadcast %get3A_18 : vector<1x128xf32> to vector<10000x128xf32>
    %add3A_33 = arith.addf %dot_general3A_31, %add3A_32 : vector<10000x128xf32>
    %reduce_sum3A = arith.constant dense<0.000000e+00> : vector<128xf32>
    %reduce_sum3A_34 = vector.multi_reduction <add>, %add3A_33, %reduce_sum3A [0] : vector<10000x128xf32> to vector<128xf32>
    %broadcast_in_dim3A = vector.shape_cast %reduce_sum3A_34 : vector<128xf32> to vector<1x128xf32>
    %div3A = arith.constant 1.000000e+04 : f32
    %div3A_35 = vector.broadcast %div3A : f32 to vector<1x128xf32>
    %div3A_36 = arith.divf %broadcast_in_dim3A, %div3A_35 : vector<1x128xf32>
    %sub3A = vector.broadcast %div3A_36 : vector<1x128xf32> to vector<10000x128xf32>
    %sub3A_37 = arith.subf %add3A_33, %sub3A : vector<10000x128xf32>
    %sub3A_38 = vector.broadcast %div3A_36 : vector<1x128xf32> to vector<10000x128xf32>
    %sub3A_39 = arith.subf %add3A_33, %sub3A_38 : vector<10000x128xf32>
    %mul3A = arith.mulf %sub3A_37, %sub3A_39 : vector<10000x128xf32>
    %reduce_sum3A_40 = arith.constant dense<0.000000e+00> : vector<128xf32>
    %reduce_sum3A_41 = vector.multi_reduction <add>, %mul3A, %reduce_sum3A_40 [0] : vector<10000x128xf32> to vector<128xf32>
    %broadcast_in_dim3A_42 = vector.shape_cast %reduce_sum3A_41 : vector<128xf32> to vector<1x128xf32>
    %div3A_43 = arith.constant 1.000000e+04 : f32
    %div3A_44 = vector.broadcast %div3A_43 : f32 to vector<1x128xf32>
    %div3A_45 = arith.divf %broadcast_in_dim3A_42, %div3A_44 : vector<1x128xf32>
    %sub3A_46 = vector.broadcast %div3A_36 : vector<1x128xf32> to vector<10000x128xf32>
    %sub3A_47 = arith.subf %add3A_33, %sub3A_46 : vector<10000x128xf32>
    %add3A_48 = arith.constant 9.99999974E-6 : f32
    %add3A_49 = vector.broadcast %add3A_48 : f32 to vector<1x128xf32>
    %add3A_50 = arith.addf %div3A_45, %add3A_49 : vector<1x128xf32>
    %rsqrt3A = math.rsqrt %add3A_50 : vector<1x128xf32>
    %mul3A_51 = vector.broadcast %rsqrt3A : vector<1x128xf32> to vector<10000x128xf32>
    %mul3A_52 = arith.mulf %sub3A_47, %mul3A_51 : vector<10000x128xf32>
    %mul3A_53 = vector.broadcast %get3A_21 : vector<1x128xf32> to vector<10000x128xf32>
    %mul3A_54 = arith.mulf %mul3A_52, %mul3A_53 : vector<10000x128xf32>
    %add3A_55 = vector.broadcast %get3A_24 : vector<1x128xf32> to vector<10000x128xf32>
    %add3A_56 = arith.addf %mul3A_54, %add3A_55 : vector<10000x128xf32>
    %max3A = arith.constant 0.000000e+00 : f32
    %max3A_57 = vector.broadcast %max3A : f32 to vector<10000x128xf32>
    %max3A_58 = arith.maximumf %add3A_56, %max3A_57 : vector<10000x128xf32>
    %dot_general3A_59 = arith.constant dense<0.000000e+00> : vector<10000x128xf32>
    %dot_general3A_60 = tpu.matmul %max3A_58, %get3A_27, %dot_general3A_59 {dimension_numbers = #tpu.dot_dimension_numbers<[1], [1], [0], [0], [0, 0, 1, 0], [], []>, transpose_lhs_hint = false} : vector<10000x128xf32>, vector<128x128xf32>, vector<10000x128xf32> -> vector<10000x128xf32>
    %add3A_61 = vector.broadcast %get3A_30 : vector<1x128xf32> to vector<10000x128xf32>
    %add3A_62 = arith.addf %dot_general3A_60, %add3A_61 : vector<10000x128xf32>
    %max3A_63 = arith.constant 0.000000e+00 : f32
    %max3A_64 = vector.broadcast %max3A_63 : f32 to vector<10000x128xf32>
    %max3A_65 = arith.maximumf %add3A_62, %max3A_64 : vector<10000x128xf32>
    %swap3A = arith.constant 0 : index
    %swap3A_66 = arith.constant 0 : index
    %swap3A_67 = vector.load %arg8[%swap3A, %swap3A_66] : memref<10000x128xf32, #tpu.memory_space<vmem>>, vector<10000x128xf32>
    tpu.vector_store %arg8[%swap3A, %swap3A_66], %max3A_65 {strides = array<i32>} : memref<10000x128xf32, #tpu.memory_space<vmem>>, vector<10000x128xf32>,
    return
  }
}

module attributes {stable_mosaic.version = 14 : i64} {
  func.func @body(%arg0: memref<10000x128xf32, #tpu.memory_space<vmem>>, %arg1: memref<2x10240x128xf32, #tpu.memory_space<vmem>>, %arg2: memref<128x128xf32, #tpu.memory_space<vmem>>, %arg3: memref<1x128xf32, #tpu.memory_space<vmem>>, %arg4: memref<1x128xf32, #tpu.memory_space<vmem>>, %arg5: memref<1x128xf32, #tpu.memory_space<vmem>>, %arg6: memref<128x128xf32, #tpu.memory_space<vmem>>, %arg7: memref<1x128xf32, #tpu.memory_space<vmem>>, %arg8: memref<128x128xf32, #tpu.memory_space<vmem>>, %arg9: memref<1x128xf32, #tpu.memory_space<vmem>>, %arg10: memref<128x128xf32, #tpu.memory_space<vmem>>, %arg11: memref<1x128xf32, #tpu.memory_space<vmem>>, %arg12: memref<10000x128xf32, #tpu.memory_space<vmem>>) attributes {dimension_semantics = [], scalar_prefetch = 0 : i64, scratch_operands = 0 : i64, tpu.core_type = #tpu.core_type<tc>} {
    %get3A = arith.constant 0 : index
    %get3A_0 = arith.constant 0 : index
    %get3A_1 = vector.load %arg0[%get3A, %get3A_0] : memref<10000x128xf32, #tpu.memory_space<vmem>>, vector<10000x128xf32>
    %get3A_2 = arith.constant 0 : index
    %get3A_3 = arith.constant 0 : index
    %get3A_4 = arith.constant 0 : index
    %get3A_5 = vector.load %arg1[%get3A_2, %get3A_3, %get3A_4] : memref<2x10240x128xf32, #tpu.memory_space<vmem>>, vector<1x10000x128xf32>
    %get3A_6 = vector.shape_cast %get3A_5 : vector<1x10000x128xf32> to vector<10000x128xf32>
    %add3A = arith.addf %get3A_1, %get3A_6 : vector<10000x128xf32>
    %get3A_7 = arith.constant 1 : index
    %get3A_8 = arith.constant 0 : index
    %get3A_9 = arith.constant 0 : index
    %get3A_10 = vector.load %arg1[%get3A_7, %get3A_8, %get3A_9] : memref<2x10240x128xf32, #tpu.memory_space<vmem>>, vector<1x10000x128xf32>
    %get3A_11 = vector.shape_cast %get3A_10 : vector<1x10000x128xf32> to vector<10000x128xf32>
    %add3A_12 = arith.addf %add3A, %get3A_11 : vector<10000x128xf32>
    %get3A_13 = arith.constant 0 : index
    %get3A_14 = arith.constant 0 : index
    %get3A_15 = vector.load %arg2[%get3A_13, %get3A_14] : memref<128x128xf32, #tpu.memory_space<vmem>>, vector<128x128xf32>
    %get3A_16 = arith.constant 0 : index
    %get3A_17 = arith.constant 0 : index
    %get3A_18 = vector.load %arg3[%get3A_16, %get3A_17] : memref<1x128xf32, #tpu.memory_space<vmem>>, vector<1x128xf32>
    %get3A_19 = arith.constant 0 : index
    %get3A_20 = arith.constant 0 : index
    %get3A_21 = vector.load %arg4[%get3A_19, %get3A_20] : memref<1x128xf32, #tpu.memory_space<vmem>>, vector<1x128xf32>
    %get3A_22 = arith.constant 0 : index
    %get3A_23 = arith.constant 0 : index
    %get3A_24 = vector.load %arg5[%get3A_22, %get3A_23] : memref<1x128xf32, #tpu.memory_space<vmem>>, vector<1x128xf32>
    %get3A_25 = arith.constant 0 : index
    %get3A_26 = arith.constant 0 : index
    %get3A_27 = vector.load %arg6[%get3A_25, %get3A_26] : memref<128x128xf32, #tpu.memory_space<vmem>>, vector<128x128xf32>
    %get3A_28 = arith.constant 0 : index
    %get3A_29 = arith.constant 0 : index
    %get3A_30 = vector.load %arg7[%get3A_28, %get3A_29] : memref<1x128xf32, #tpu.memory_space<vmem>>, vector<1x128xf32>
    %dot_general3A = arith.constant dense<0.000000e+00> : vector<10000x128xf32>
    %dot_general3A_31 = tpu.matmul %add3A_12, %get3A_15, %dot_general3A {dimension_numbers = #tpu.dot_dimension_numbers<[1], [1], [0], [0], [0, 0, 1, 0], [], []>, transpose_lhs_hint = false} : vector<10000x128xf32>, vector<128x128xf32>, vector<10000x128xf32> -> vector<10000x128xf32>
    %add3A_32 = vector.broadcast %get3A_18 : vector<1x128xf32> to vector<10000x128xf32>
    %add3A_33 = arith.addf %dot_general3A_31, %add3A_32 : vector<10000x128xf32>
    %reduce_sum3A = arith.constant dense<0.000000e+00> : vector<128xf32>
    %reduce_sum3A_34 = vector.multi_reduction <add>, %add3A_33, %reduce_sum3A [0] : vector<10000x128xf32> to vector<128xf32>
    %broadcast_in_dim3A = vector.shape_cast %reduce_sum3A_34 : vector<128xf32> to vector<1x128xf32>
    %div3A = arith.constant 1.000000e+04 : f32
    %div3A_35 = vector.broadcast %div3A : f32 to vector<1x128xf32>
    %div3A_36 = arith.divf %broadcast_in_dim3A, %div3A_35 : vector<1x128xf32>
    %sub3A = vector.broadcast %div3A_36 : vector<1x128xf32> to vector<10000x128xf32>
    %sub3A_37 = arith.subf %add3A_33, %sub3A : vector<10000x128xf32>
    %sub3A_38 = vector.broadcast %div3A_36 : vector<1x128xf32> to vector<10000x128xf32>
    %sub3A_39 = arith.subf %add3A_33, %sub3A_38 : vector<10000x128xf32>
    %mul3A = arith.mulf %sub3A_37, %sub3A_39 : vector<10000x128xf32>
    %reduce_sum3A_40 = arith.constant dense<0.000000e+00> : vector<128xf32>
    %reduce_sum3A_41 = vector.multi_reduction <add>, %mul3A, %reduce_sum3A_40 [0] : vector<10000x128xf32> to vector<128xf32>
    %broadcast_in_dim3A_42 = vector.shape_cast %reduce_sum3A_41 : vector<128xf32> to vector<1x128xf32>
    %div3A_43 = arith.constant 1.000000e+04 : f32
    %div3A_44 = vector.broadcast %div3A_43 : f32 to vector<1x128xf32>
    %div3A_45 = arith.divf %broadcast_in_dim3A_42, %div3A_44 : vector<1x128xf32>
    %sub3A_46 = vector.broadcast %div3A_36 : vector<1x128xf32> to vector<10000x128xf32>
    %sub3A_47 = arith.subf %add3A_33, %sub3A_46 : vector<10000x128xf32>
    %add3A_48 = arith.constant 9.99999974E-6 : f32
    %add3A_49 = vector.broadcast %add3A_48 : f32 to vector<1x128xf32>
    %add3A_50 = arith.addf %div3A_45, %add3A_49 : vector<1x128xf32>
    %rsqrt3A = math.rsqrt %add3A_50 : vector<1x128xf32>
    %mul3A_51 = vector.broadcast %rsqrt3A : vector<1x128xf32> to vector<10000x128xf32>
    %mul3A_52 = arith.mulf %sub3A_47, %mul3A_51 : vector<10000x128xf32>
    %mul3A_53 = vector.broadcast %get3A_21 : vector<1x128xf32> to vector<10000x128xf32>
    %mul3A_54 = arith.mulf %mul3A_52, %mul3A_53 : vector<10000x128xf32>
    %add3A_55 = vector.broadcast %get3A_24 : vector<1x128xf32> to vector<10000x128xf32>
    %add3A_56 = arith.addf %mul3A_54, %add3A_55 : vector<10000x128xf32>
    %max3A = arith.constant 0.000000e+00 : f32
    %max3A_57 = vector.broadcast %max3A : f32 to vector<10000x128xf32>
    %max3A_58 = arith.maximumf %add3A_56, %max3A_57 : vector<10000x128xf32>
    %dot_general3A_59 = arith.constant dense<0.000000e+00> : vector<10000x128xf32>
    %dot_general3A_60 = tpu.matmul %max3A_58, %get3A_27, %dot_general3A_59 {dimension_numbers = #tpu.dot_dimension_numbers<[1], [1], [0], [0], [0, 0, 1, 0], [], []>, transpose_lhs_hint = false} : vector<10000x128xf32>, vector<128x128xf32>, vector<10000x128xf32> -> vector<10000x128xf32>
    %add3A_61 = vector.broadcast %get3A_30 : vector<1x128xf32> to vector<10000x128xf32>
    %add3A_62 = arith.addf %dot_general3A_60, %add3A_61 : vector<10000x128xf32>
    %max3A_63 = arith.constant 0.000000e+00 : f32
    %max3A_64 = vector.broadcast %max3A_63 : f32 to vector<10000x128xf32>
    %max3A_65 = arith.maximumf %add3A_62, %max3A_64 : vector<10000x128xf32>
    %get3A_66 = arith.constant 0 : index
    %get3A_67 = arith.constant 0 : index
    %get3A_68 = vector.load %arg8[%get3A_66, %get3A_67] : memref<128x128xf32, #tpu.memory_space<vmem>>, vector<128x128xf32>
    %dot_general3A_69 = arith.constant dense<0.000000e+00> : vector<10000x128xf32>
    %dot_general3A_70 = tpu.matmul %max3A_65, %get3A_68, %dot_general3A_69 {dimension_numbers = #tpu.dot_dimension_numbers<[1], [1], [0], [0], [0, 0, 1, 0], [], []>, transpose_lhs_hint = false} : vector<10000x128xf32>, vector<128x128xf32>, vector<10000x128xf32> -> vector<10000x128xf32>
    %get3A_71 = arith.constant 0 : index
    %get3A_72 = arith.constant 0 : index
    %get3A_73 = vector.load %arg9[%get3A_71, %get3A_72] : memref<1x128xf32, #tpu.memory_space<vmem>>, vector<1x128xf32>
    %add3A_74 = vector.broadcast %get3A_73 : vector<1x128xf32> to vector<10000x128xf32>
    %add3A_75 = arith.addf %dot_general3A_70, %add3A_74 : vector<10000x128xf32>
    %max3A_76 = arith.constant 0.000000e+00 : f32
    %max3A_77 = vector.broadcast %max3A_76 : f32 to vector<10000x128xf32>
    %max3A_78 = arith.maximumf %add3A_75, %max3A_77 : vector<10000x128xf32>
    %get3A_79 = arith.constant 0 : index
    %get3A_80 = arith.constant 0 : index
    %get3A_81 = vector.load %arg10[%get3A_79, %get3A_80] : memref<128x128xf32, #tpu.memory_space<vmem>>, vector<128x128xf32>
    %dot_general3A_82 = arith.constant dense<0.000000e+00> : vector<10000x128xf32>
    %dot_general3A_83 = tpu.matmul %max3A_78, %get3A_81, %dot_general3A_82 {dimension_numbers = #tpu.dot_dimension_numbers<[1], [1], [0], [0], [0, 0, 1, 0], [], []>, transpose_lhs_hint = false} : vector<10000x128xf32>, vector<128x128xf32>, vector<10000x128xf32> -> vector<10000x128xf32>
    %get3A_84 = arith.constant 0 : index
    %get3A_85 = arith.constant 0 : index
    %get3A_86 = vector.load %arg11[%get3A_84, %get3A_85] : memref<1x128xf32, #tpu.memory_space<vmem>>, vector<1x128xf32>
    %add3A_87 = vector.broadcast %get3A_86 : vector<1x128xf32> to vector<10000x128xf32>
    %add3A_88 = arith.addf %dot_general3A_83, %add3A_87 : vector<10000x128xf32>
    %swap3A = arith.constant 0 : index
    %swap3A_89 = arith.constant 0 : index
    %swap3A_90 = vector.load %arg12[%swap3A, %swap3A_89] : memref<10000x128xf32, #tpu.memory_space<vmem>>, vector<10000x128xf32>
    tpu.vector_store %arg12[%swap3A, %swap3A_89], %add3A_88 {strides = array<i32>} : memref<10000x128xf32, #tpu.memory_space<vmem>>, vector<10000x128xf32>,
    return
  }
}

</mosaic_0001>

<sc_bundles>
// kernel: kernel.6.cloned.1.call-start
scs
__scs_entry_jumppad:
0x0: {  	(pc) =	sbr.rel $0x88, $3  }
0x1: {  	(tag) =	ssettag $0x0;
	lr =	simm.s32 $0x1  }
0x2: {  	[smem:$0x3F8F] =	sst lr;
	_ =	strace $0xD0000000  }
0x3: {  	_ = 	snop  }
0x4: {  	_ = 	snop  }
0x5: {  	_ = 	snop  }
0x6: {  	_ = 	snop  }
0x7: {  	_ = 	snop  }
__scs_overlays_trampoline_lowered:
0x8: {  	[smem:$0x3F9E] =	sst s0  }
0x9: {  	[smem:$0x3F9F] =	sst s1  }
0xa: {  	[smem:$0x3FA0] =	sst s2  }
0xb: {  	[smem:$0x3FA1] =	sst s3  }
0xc: {  	[smem:$0x3FA2] =	sst s4  }
0xd: {  	[smem:$0x3FA3] =	sst s5  }
0xe: {  	[smem:$0x3FA4] =	sst s6  }
0xf: {  	[smem:$0x3FA5] =	sst s7  }
0x10: {  	[smem:$0x3FA6] =	sst s8  }
0x11: {  	[smem:$0x3FA7] =	sst s9;
	s0 =	simm.s32 @!p0 $0x0  }
0x12: {  	s1 =	sld [smem:$0x3F8D];
	s0 =	simm.s32 @p0 $0x1  }
0x13: {  	[smem:$0x3FA8] =	sst s0;
	s0 =	simm.s32 @!p1 $0x0  }
0x14: {  	s2 =	sld [smem:$0x3F8C];
	s0 =	simm.s32 @p1 $0x1  }
0x15: {  	[smem:$0x3FA9] =	sst s0;
	s0 =	simm.s32 @!p2 $0x0  }
0x16: {  	s3 =	sld [smem:$0x3FDB];
	s0 =	simm.s32 @p2 $0x1  }
0x17: {  	s4 =	simm.s32 $0x1BF5;
	[smem:$0x3FAB] =	sst s0  }
0x18: {  	s0 =	sld [smem:$0x3F8E];
	_ =	swait.ge [sflag:s4], $0x0  }
0x19: {  	s7 =	sld [smem:$0x3F8F]  }
0x1a: {  	s8 =	sadd.s32 $0xFFFFE003, lr  }
0x1b: {  	s9 =	sadd.s32 $0xFFFFFEF7, lr;
	s5 =	simm.s32 $0xFFFFFFFF;
	p2 =	slt.u32 s8, $0xFFFFF086  }
0x1c: {  	p1 =	slt.u32 s9, $0xF7A;
	s5 =	simm.s32 @!p2 $0x0  }
0x1d: {  	s5 =	simm.s32 @p1 $0x1;
	p0 =	seq.s32 s7, s2  }
0x1e: {  	s7 =	smul.u32 @!p0 $0xF7A, s2;
	p2 =	seq.s32 @!p0 s5, $0x0  }
0x1f: {  	s9 =	smul.u32 $0xF7A, s1;
	s8 =	simm.s32 @!p0 $0x1BF5;
	p2 =	por !p2, p0  }
0x20: {  	[sflag:s8] =	ssyncset.s32 @!p0 $0xFFFFF086;
	s6 =	sadd.s32 @!p0 s3, s7;
	s7 =	simm.s32 @!p0 $0x108  }
0x21: {  	s3 =	sadd.s32 s3, s9;
	s6 =	sadd.s32 @!p0 $0x88, s6;
	s7 =	simm.s32 @p2 $0x1082  }
0x22: {  	[simem:s7], [sflag:s8] =	dma.local @!p0 [hbm:s6], $0xF7A  }
0x23: {  	s9 =	sor.u32 $0xD0000000, s2;
	s6 =	simm.s32 $0x108;
	_ =	swait.ge @!p0 [sflag:s8], $0x0  }
0x24: {  	s3 =	sadd.s32 $0x88, s3;
	s6 =	simm.s32 @!p1 $0x1082;
	[sflag:s4] =	ssyncset.s32 $0xFFFFF086  }
0x25: {  	[simem:s6], [sflag:s4] =	dma.local [hbm:s3], $0xF7A  }
0x26: {  	[smem:$0x3F8F] =	sst s1;
	(tag) =	ssettag s2;
	_ =	strace s9  }
0x27: {  	s1 =	sld [smem:$0x3F9F]  }
0x28: {  	s2 =	sld [smem:$0x3FA0]  }
0x29: {  	s4 =	sld [smem:$0x3FA2]  }
0x2a: {  	p0 =	seq.s32 s5, $0x0;
	s5 =	sld [smem:$0x3FA3]  }
0x2b: {  	s6 =	sld [smem:$0x3FA4]  }
0x2c: {  	s7 =	sld [smem:$0x3FA5]  }
0x2d: {  	s3 =	simm.s32 $0x108;
	s8 =	sld [smem:$0x3FA6]  }
0x2e: {  	s3 =	simm.s32 @!p0 $0x1082;
	s9 =	sld [smem:$0x3FA7]  }
0x2f: {  	lr =	sadd.s32 s0, s3;
	s0 =	sld [smem:$0x3F9E]  }
0x30: {  	s3 =	sld [smem:$0x3FA1]  }
0x31: {  	[smem:$0x3FAA] =	sst s10  }
0x32: {  	s10 =	sld [smem:$0x3FA8];
	_ =	sdelay $0x3  }
0x33: {  	p0 =	seq.s32 s10, $0x1;
	s10 =	sld [smem:$0x3FAA];
	_ =	sdelay $0x3  }
0x34: {  	[smem:$0x3FAA] =	sst s10  }
0x35: {  	s10 =	sld [smem:$0x3FA9];
	_ =	sdelay $0x3  }
0x36: {  	p1 =	seq.s32 s10, $0x1;
	s10 =	sld [smem:$0x3FAA];
	_ =	sdelay $0x3  }
0x37: {  	[smem:$0x3FAA] =	sst s10  }
0x38: {  	s10 =	sld [smem:$0x3FAB]  }
0x39: {  	_ = 	snop;
	(pc) =	sbr.ind lr, $3  }
0x3a: {  	_ = 	snop  }
0x3b: {  	_ = 	snop  }
0x3c: {  	p2 =	seq.s32 s10, $0x1;
	s10 =	sld [smem:$0x3FAA]  }
0x3d: {  	_ =	shalt  }
0x3e: {  	_ =	shalt  }
0x3f: {  	_ =	shalt  }
0x40: {  	_ =	shalt  }
0x41: {  	_ =	shalt  }
0x42: {  	_ =	shalt  }
0x43: {  	_ =	shalt  }
0x44: {  	_ =	shalt  }
0x45: {  	_ =	shalt  }
0x46: {  	_ =	shalt  }
0x47: {  	_ =	shalt  }
0x48: {  	_ =	shalt  }
0x49: {  	_ =	shalt  }
0x4a: {  	_ =	shalt  }
0x4b: {  	_ =	shalt  }
0x4c: {  	_ =	shalt  }
0x4d: {  	_ =	shalt  }
0x4e: {  	_ =	shalt  }
0x4f: {  	_ =	shalt  }
0x50: {  	_ =	shalt  }
0x51: {  	_ =	shalt  }
0x52: {  	_ =	shalt  }
0x53: {  	_ =	shalt  }
0x54: {  	_ =	shalt  }
0x55: {  	_ =	shalt  }
0x56: {  	_ =	shalt  }
0x57: {  	_ =	shalt  }
0x58: {  	_ =	shalt  }
0x59: {  	_ =	shalt  }
0x5a: {  	_ =	shalt  }
0x5b: {  	_ =	shalt  }
0x5c: {  	_ =	shalt  }
0x5d: {  	_ =	shalt  }
0x5e: {  	_ =	shalt  }
0x5f: {  	_ =	shalt  }
0x60: {  	_ =	shalt  }
0x61: {  	_ =	shalt  }
0x62: {  	_ =	shalt  }
0x63: {  	_ =	shalt  }
0x64: {  	_ =	shalt  }
0x65: {  	_ =	shalt  }
0x66: {  	_ =	shalt  }
0x67: {  	_ =	shalt  }
0x68: {  	_ =	shalt  }
0x69: {  	_ =	shalt  }
0x6a: {  	_ =	shalt  }
0x6b: {  	_ =	shalt  }
0x6c: {  	_ =	shalt  }
0x6d: {  	_ =	shalt  }
0x6e: {  	_ =	shalt  }
0x6f: {  	_ =	shalt  }
0x70: {  	_ =	shalt  }
0x71: {  	_ =	shalt  }
0x72: {  	_ =	shalt  }
0x73: {  	_ =	shalt  }
0x74: {  	_ =	shalt  }
0x75: {  	_ =	shalt  }
0x76: {  	_ =	shalt  }
0x77: {  	_ =	shalt  }
0x78: {  	_ =	shalt  }
0x79: {  	_ =	shalt  }
0x7a: {  	_ =	shalt  }
0x7b: {  	_ =	shalt  }
0x7c: {  	_ =	shalt  }
0x7d: {  	_ =	shalt  }
0x7e: {  	_ =	shalt  }
0x7f: {  	_ =	shalt  }
0x80: {  	_ =	shalt  }
0x81: {  	_ =	shalt  }
0x82: {  	_ =	shalt  }
0x83: {  	_ =	shalt  }
0x84: {  	_ =	shalt  }
0x85: {  	_ =	shalt  }
0x86: {  	_ =	shalt  }
0x87: {  	_ =	shalt  }
.Lfunc_end0:
.L_simem_size_0:
called_computation_lowered:
.L_overlay_start_0:
0x88: {  	s2 =	sld [smem:$0x3FD9]  }
0x89: {  	s3 =	sld [smem:$0x3FFE];
	_ =	sdelay $0x1  }
0x8a: {  	s1 =	srdreg.scid  }
0x8b: {  	s0 =	sand.u32 $0x1, s1  }
0x8c: {  	s17 =	sshll.u32 s0, $0xA;
	s2 =	sadd.s32 s3, s2  }
0x8d: {  	s2 =	sadd.s32 s2, s17  }
0x8e: {  	[smem:$0x3FB6] =	sst s2  }
0x8f: {  	_ = 	snop  }
0x90: {  	s2 =	sld [smem:$0x3FC9];
	(tm) =	ssettm $0x1  }
0x91: {  	s18 =	sld [smem:$0x3FFB];
	_ =	sdelay $0x3  }
0x92: {  	_ =	strace s18  }
0x93: {  	s3 =	sld [smem:$0x3FFC];
	_ =	sdelay $0x3  }
0x94: {  	_ =	strace s3  }
0x95: {  	s3 =	sld [smem:$0x3FFD];
	_ =	sdelay $0x3  }
0x96: {  	_ =	strace s3  }
0x97: {  	_ =	strace $0x8FFFFFFF  }
0x98: {  	s19 =	sld [smem:$0x3FDB];
	_ =	sdelay $0x1  }
0x99: {  	s4 =	simm.s32 $_scs_section_size  }
0x9a: {  	s5 =	simm.s32 $_size__tile_overlayer_lowered;
	s6 =	simm.s32 $_tile_overlayer_lowered  }
0x9b: {  	s22 =	simm.s32 $0x1BFF;
	s21 =	sshll.u32 s6, $0x1;
	s3 =	sadd.s32 s4, s19  }
0x9c: {  	s7 =	simm.s32 $0x0;
	s20 =	sshll.u32 s5, $0x1;
	s5 =	sadd.s32 s21, s3  }
0x9d: {  	[timem:s7], [sflag:s22] =	dma.local [hbm:s5], s20  }
0x9e: {  	_ =	swait.ge [sflag:s22], s20  }
0x9f: {  	s4 =	ssub.s32 $0x0, s20;
	[sflag:s22] =	ssyncset.done $0x0  }
0xa0: {  	[sflag:s22] =	ssyncadd.s32 s4;
	_ =	sdelay $0x1  }
0xa1: {  	s23 =	simm.s32 $0x1B8B  }
0xa2: {  	_ =	swait.ge [sflag:s23], $0x1  }
0xa3: {  	[sflag:s23] =	ssyncset.done $0x0  }
0xa4: {  	s25 =	simm.s32 $0x1B8E;
	s24 =	sld [smem:$0x3FFE];
	[sflag:s23] =	ssyncadd.s32 $0xFFFFFFFF  }
0xa5: {  	s26 =	simm.s32 $execute0_lowered;
	[smem:$0x3FD2] =	sst s25  }
0xa6: {  	s5 =	sshll.u32 s26, $0x1;
	_ =	strace $0x80000046;
	[dreg:$0x1] =	wrdreg $0xFFFFFFFF  }
0xa7: {  	s28 =	simm.s32 $_size_execute0_lowered;
	s3 =	sadd.s32 s3, s5;
	[dreg:$0x0] =	wrdreg $0x0  }
0xa8: {  	s5 =	sshll.u32 s28, $0x1;
	[dreg:$0x2] =	wrdreg s3  }
0xa9: {  	[dreg:$0x3] =	wrdreg s5  }
0xaa: {  	[dreg:$0x4] =	wrdreg $0xC0  }
0xab: {  	_ =	task [dreg:s7], $0x5FFFF  }
0xac: {  	[dreg:$0x1] =	wrdreg $0xFFFFFFFF  }
0xad: {  	[dreg:$0x0] =	wrdreg $0x60  }
0xae: {  	[dreg:$0x2] =	wrdreg s2  }
0xaf: {  	[dreg:$0x3] =	wrdreg s24  }
0xb0: {  	[dreg:$0x4] =	wrdreg $0x81800  }
0xb1: {  	[dreg:$0x5] =	wrdreg $0x9  }
0xb2: {  	_ =	task.clear_ibuf [dreg:s7], $0x6FFFF;
	_ =	strace $0x90000046  }
0xb3: {  	s29 =	simm.s32 $0x9;
	_ =	strace $0x80000048  }
0xb4: {  	_ =	swait.ge [sflag:s29], $0x1  }
0xb5: {  	[sflag:s29] =	ssyncadd.s32 $0xFFFFFFFF  }
0xb6: {  	_ =	strace $0x90000048  }
0xb7: {  	_ =	sfence  }
0xb8: {  	s30 =	sld [smem:$0x0];
	_ =	sdelay $0x2  }
0xb9: {  	s31 =	sshll.u32 s1, $0xD;
	s1 =	sshrl.u32 s1, $0x2  }
0xba: {  	s3 =	sand.u32 $0x4000, s31;
	s1 =	sadd.s32 s1, s30  }
0xbb: {  	s0 =	sor.u32 s3, s0;
	s1 =	sshll.u32 s1, $0x11  }
0xbc: {  	s0 =	sor.u32 s1, s0  }
0xbd: {  	s0 =	sadd.s32 $0x8F2B, s0  }
0xbe: {  	[sflag:s0] =	ssyncadd.remote.s32 $0x1  }
0xbf: {  	_ =	sfence.sel $0xFFFF  }
0xc0: {  	[dreg:$0x0] =	wrdreg $0xFFFFFFFF;
	(pc) =	sbr.abs _section_cstart, $3  }
0xc1: {  	[dreg:$0x1] =	wrdreg $0xFFFFFFFF  }
0xc2: {  	_ =	task.clear_ibuf [dreg:s7], $0x2FFFF;
	_ =	strace $0x9FFFFFFF  }
0xc3: {  	(tm) =	ssettm $0x7FFFFFFF  }
tec
execute0_lowered:
.L_overlay_start_1:
0x0: {  	(tag) =	ssettag $0x1  }
0x1: {  	s1 =	rddreg [dreg:$0x0]  }
0x2: {  	s0 =	rddreg [dreg:$0x1]  }
0x3: {  	s2 =	rddreg [dreg:$0x2];
	s3 =	simm.s32 $0x0  }
0x4: {  	s5 =	srdreg.scid;
	s11 =	stileid.u32;
	s28 =	simm.s32 $0x3  }
0x5: {  	s29 =	simm.s32 $0x180;
	s30 =	simm.s32 $0x4;
	s31 =	simm.s32 $0x2  }
0x6: {  	[smem:$0x7FF] =	sst s3;
	s4 =	sadd.s32 $0x3800, s0;
	s0 =	sadd.s32 $0x17800, s0  }
0x7: {  	s7 =	sand.u32 $0x1, s5;
	s5 =	sshll.u32 s11, $0x6;
	s10 =	smul.u32 $0x50000, s11  }
0x8: {  	s13 =	smul.u32 $0x14000, s11;
	_ =	strace $0x80000047;
	s6 =	ssub.s32 $0x2, s7  }
0x9: {  	s21 =	sshll.u32 s7, $0x5;
	s7 =	smul.u32 $0x140000, s7;
	s26 =	sadd.s32 s5, s4  }
0xa: {  	s8 =	sshrl.u32 s6, $0x1;
	s9 =	sor.u32 s21, s5;
	s24 =	sshrl.u32 s10, $0x2  }
0xb: {  	s14 =	sadd.s32 $0x4000, s13;
	s16 =	sadd.s32 $0x8000, s13;
	s17 =	sadd.s32 $0xC000, s13  }
0xc: {  	s18 =	sadd.s32 $0x10000, s13;
	s21 =	sadd.s32 s21, s26;
	s26 =	simm.s32 $0x1  }
0xd: {  	s19 =	ssub.s32 s6, s8;
	s6 =	sadd.s32 s4, s9;
	s9 =	sadd.s32 s24, s2  }
0xe: {  	s10 =	sadd.s32 s14, s2;
	s11 =	sadd.s32 s16, s2;
	s12 =	sadd.s32 s17, s2  }
0xf: {  	s15 =	sadd.s32 s13, s7;
	s20 =	sadd.s32 s7, s14;
	s13 =	sadd.s32 s18, s2  }
0x10: {  	s16 =	sadd.s32 s7, s16;
	s17 =	sadd.s32 s7, s17;
	s7 =	sadd.s32 s7, s18  }
0x11: {  	s24 =	simm.s32 $0x4180;
	s22 =	sadd.s32 $0x400, s6;
	s23 =	sadd.s32 $0x10, s6  }
0x12: {  	s15 =	sshrl.u32 s15, $0x3;
	s25 =	sshrl.u32 s20, $0x3;
	s16 =	sshrl.u32 s16, $0x3  }
0x13: {  	s17 =	sshrl.u32 s17, $0x3;
	s7 =	sshrl.u32 s7, $0x3;
	[dreg:$0x4] =	wrdreg s22  }
0x14: {  	s19 =	smax.u32 s19, $0x1;
	s20 =	sadd.s32 $0x13C10, s6;
	[dreg:$0x5] =	wrdreg s23  }
0x15: {  	s14 =	sadd.s32 s0, s15;
	s15 =	sadd.s32 s0, s25;
	s16 =	sadd.s32 s0, s16  }
0x16: {  	s17 =	sadd.s32 s0, s17;
	s18 =	sadd.s32 s0, s7;
	s22 =	simm.s32 $0x80  }
0x17: {  	v0 =	vimm.f32 $0.0e+00;
	s23 =	simm.s32 $0x100;
	s25 =	simm.s32 $0x5;
	s0 =	simm.s32 $0x0  }
.LBB2_1:
0x18: {  	[tilespmem:s3], [sflag:$0x1] =	stream.linear.gather [hbm4b:s6+s3], $0x80, $0x38;
	[tilespmem:$0x1C180] =	vst v63  }
0x19: {  	s4 =	rddreg [dreg:$0x4]  }
0x1a: {  	[tilespmem:s22], [sflag:$0x2] =	stream.linear.gather [hbm4b:s4+s3], $0x80, $0x38;
	[tilespmem:$0x1C180] =	vst v63  }
0x1b: {  	s8 =	rddreg [dreg:$0x5];
	s7 =	simm.s32 $0x200;
	s4 =	simm.s32 $0x0  }
0x1c: {  	[tilespmem:s23], [sflag:$0x3] =	stream.linear.gather [hbm4b:s8+s3], $0x80, $0x38;
	[tilespmem:$0x1C180] =	vst v63  }
.LBB2_2:
0x1d: {  	p0 =	sne.s32 s7, $0xFE00;
	[tilespmem:s4+$0x41F0] =	vst v0  }
0x1e: {  	[tilespmem:s4+$0x4180] =	vst v0  }
0x1f: {  	[tilespmem:s4+$0x4190] =	vst v0  }
.Ltmp0:
0x20: {  	[tilespmem:s4+$0x41A0] =	vst v0;
	(pc) =	sbr.rel @p0 .LBB2_2-.Ltmp0, $4  }
0x21: {  	[tilespmem:s4+$0x41B0] =	vst v0  }
0x22: {  	[tilespmem:s4+$0x41C0] =	vst v0  }
0x23: {  	[tilespmem:s4+$0x41D0] =	vst v0  }
0x24: {  	[tilespmem:s4+$0x41E0] =	vst v0;
	s4 =	sshra.s32 s7, $0x2;
	s7 =	sadd.s32 $0x200, s7  }
0x25: {  	[tilespmem:s4+$0x41F0] =	vst v0  }
0x26: {  	[tilespmem:s4+$0x4180] =	vst v0  }
0x27: {  	[tilespmem:s4+$0x4190] =	vst v0  }
0x28: {  	[tilespmem:s4+$0x41A0] =	vst v0  }
0x29: {  	[tilespmem:s4+$0x41B0] =	vst v0  }
0x2a: {  	[tilespmem:s4+$0x41C0] =	vst v0  }
0x2b: {  	[tilespmem:s4+$0x41D0] =	vst v0  }
0x2c: {  	[tilespmem:s4+$0x41E0] =	vst v0  }
0x2d: {  	[spmem:s9] =	stream.linear.scatter [tilespmem:s24], [sflag:$0x5], $0x4000, $0x38;
	[tilespmem:$0x1C180] =	vst v63  }
0x2e: {  	_ =	swait.ge [sflag:s25], $0x4000  }
0x2f: {  	[sflag:s25] =	ssyncset.done $0x0  }
0x30: {  	[sflag:s25] =	ssyncadd.s32 $0xFFFFC000  }
0x31: {  	[spmem:s10] =	stream.linear.scatter [tilespmem:s24], [sflag:$0x5], $0x4000, $0x38;
	[tilespmem:$0x1C180] =	vst v63  }
0x32: {  	_ =	swait.ge [sflag:s25], $0x4000  }
0x33: {  	[sflag:s25] =	ssyncset.done $0x0  }
0x34: {  	[sflag:s25] =	ssyncadd.s32 $0xFFFFC000  }
0x35: {  	[spmem:s11] =	stream.linear.scatter [tilespmem:s24], [sflag:$0x5], $0x4000, $0x38;
	[tilespmem:$0x1C180] =	vst v63  }
0x36: {  	_ =	swait.ge [sflag:s25], $0x4000  }
0x37: {  	[sflag:s25] =	ssyncset.done $0x0  }
0x38: {  	[sflag:s25] =	ssyncadd.s32 $0xFFFFC000  }
0x39: {  	[spmem:s12] =	stream.linear.scatter [tilespmem:s24], [sflag:$0x5], $0x4000, $0x38;
	[tilespmem:$0x1C180] =	vst v63  }
0x3a: {  	_ =	swait.ge [sflag:s25], $0x4000  }
0x3b: {  	[sflag:s25] =	ssyncset.done $0x0  }
0x3c: {  	[sflag:s25] =	ssyncadd.s32 $0xFFFFC000  }
0x3d: {  	[spmem:s13] =	stream.linear.scatter [tilespmem:s24], [sflag:$0x5], $0x4000, $0x38;
	[tilespmem:$0x1C180] =	vst v63  }
0x3e: {  	_ =	swait.ge [sflag:s25], $0x4000  }
0x3f: {  	[sflag:s25] =	ssyncset.done $0x0  }
0x40: {  	[sflag:s25] =	ssyncadd.s32 $0xFFFFC000  }
0x41: {  	[bflag:$0x0] =	sbarrier.arrive $0xFFFF  }
0x42: {  	_ =	swait.ge [sflag:s26], $0x80  }
0x43: {  	[sflag:s26] =	ssyncset.done $0x0  }
0x44: {  	[sflag:s26] =	ssyncadd.s32 $0xFFFFFF80  }
0x45: {  	_ =	swait.ge [sflag:s28], $0x80  }
0x46: {  	[sflag:s28] =	ssyncset.done $0x0  }
0x47: {  	[sflag:s28] =	ssyncadd.s32 $0xFFFFFF80  }
0x48: {  	[tilespmem:s29], [sflag:$0x4] =	stream.indirect.gather [hbm4b:s1+s22], $0x80, s3, s22, $0xb8;
	[tilespmem:$0x1C180] =	vst v63  }
0x49: {  	_ =	swait.ge [sflag:s30], $0x4000  }
0x4a: {  	[sflag:s30] =	ssyncset.done $0x0  }
0x4b: {  	[sflag:s30] =	ssyncadd.s32 $0xFFFFC000  }
0x4c: {  	[spmem:s2] =	stream.indirect.scatter.add.f32 [tilespmem:s29], [sflag:$0x5], $0x80, s23, s22, $0xb8;
	[tilespmem:$0x1C180] =	vst v63  }
0x4d: {  	_ =	swait.ge [sflag:s25], $0x4000  }
0x4e: {  	s7 =	sadd.s32 $0x0, s21;
	[sflag:s25] =	ssyncset.done $0x0  }
0x4f: {  	s8 =	sadd.s32 $0x410, s7;
	[sflag:s25] =	ssyncadd.s32 $0xFFFFC000  }
0x50: {  	[tilespmem:s23], [sflag:$0x3] =	stream.linear.gather [hbm4b:s8+s3], $0x80, $0x38;
	[tilespmem:$0x1C180] =	vst v63  }
0x51: {  	s8 =	sadd.s32 $0x800, s7  }
0x52: {  	[tilespmem:s3], [sflag:$0x1] =	stream.linear.gather [hbm4b:s8+s3], $0x80, $0x38;
	[tilespmem:$0x1C180] =	vst v63  }
0x53: {  	_ =	swait.ge [sflag:s31], $0x80  }
0x54: {  	[sflag:s31] =	ssyncset.done $0x0  }
0x55: {  	[sflag:s31] =	ssyncadd.s32 $0xFFFFFF80  }
0x56: {  	_ =	swait.ge [sflag:s28], $0x80  }
0x57: {  	[sflag:s28] =	ssyncset.done $0x0  }
0x58: {  	[sflag:s28] =	ssyncadd.s32 $0xFFFFFF80  }
0x59: {  	[tilespmem:s29], [sflag:$0x4] =	stream.indirect.gather [hbm4b:s1+s22], $0x80, s22, s22, $0xb8;
	[tilespmem:$0x1C180] =	vst v63  }
0x5a: {  	_ =	swait.ge [sflag:s30], $0x4000  }
0x5b: {  	[sflag:s30] =	ssyncset.done $0x0  }
0x5c: {  	[sflag:s30] =	ssyncadd.s32 $0xFFFFC000  }
0x5d: {  	[spmem:s2] =	stream.indirect.scatter.add.f32 [tilespmem:s29], [sflag:$0x5], $0x80, s23, s22, $0xb8;
	[tilespmem:$0x1C180] =	vst v63  }
0x5e: {  	_ =	swait.ge [sflag:s25], $0x4000  }
0x5f: {  	s4 =	simm.s32 $0x800;
	[sflag:s25] =	ssyncset.done $0x0  }
0x60: {  	s8 =	sadd.s32 $0x810, s7;
	s7 =	sadd.s32 $0xC00, s7;
	[sflag:s25] =	ssyncadd.s32 $0xFFFFC000  }
0x61: {  	[tilespmem:s23], [sflag:$0x3] =	stream.linear.gather [hbm4b:s8+s3], $0x80, $0x38;
	[tilespmem:$0x1C180] =	vst v63  }
.LBB2_4:
0x62: {  	[tilespmem:s22], [sflag:$0x2] =	stream.linear.gather [hbm4b:s7+s3], $0x80, $0x38;
	[tilespmem:$0x1C180] =	vst v63  }
0x63: {  	s7 =	smov.u32 s4  }
0x64: {  	p0 =	sne.s32 s4, $0x13000;
	s4 =	sadd.s32 $0x800, s4;
	_ =	swait.ge [sflag:s26], $0x80  }
0x65: {  	[sflag:s26] =	ssyncset.done $0x0  }
0x66: {  	[sflag:s26] =	ssyncadd.s32 $0xFFFFFF80  }
0x67: {  	_ =	swait.ge [sflag:s28], $0x80  }
0x68: {  	[sflag:s28] =	ssyncset.done $0x0  }
0x69: {  	[sflag:s28] =	ssyncadd.s32 $0xFFFFFF80  }
0x6a: {  	[tilespmem:s29], [sflag:$0x4] =	stream.indirect.gather [hbm4b:s1+s22], $0x80, s3, s22, $0xb8;
	[tilespmem:$0x1C180] =	vst v63  }
0x6b: {  	_ =	swait.ge [sflag:s30], $0x4000  }
0x6c: {  	[sflag:s30] =	ssyncset.done $0x0  }
0x6d: {  	[sflag:s30] =	ssyncadd.s32 $0xFFFFC000  }
0x6e: {  	[spmem:s2] =	stream.indirect.scatter.add.f32 [tilespmem:s29], [sflag:$0x5], $0x80, s23, s22, $0xb8;
	[tilespmem:$0x1C180] =	vst v63  }
0x6f: {  	_ =	swait.ge [sflag:s25], $0x4000  }
0x70: {  	s7 =	sadd.s32 s7, s21;
	[sflag:s25] =	ssyncset.done $0x0  }
0x71: {  	s8 =	sadd.s32 $0x410, s7;
	[sflag:s25] =	ssyncadd.s32 $0xFFFFC000  }
0x72: {  	[tilespmem:s23], [sflag:$0x3] =	stream.linear.gather [hbm4b:s8+s3], $0x80, $0x38;
	[tilespmem:$0x1C180] =	vst v63  }
0x73: {  	s8 =	sadd.s32 $0x800, s7  }
0x74: {  	[tilespmem:s3], [sflag:$0x1] =	stream.linear.gather [hbm4b:s8+s3], $0x80, $0x38;
	[tilespmem:$0x1C180] =	vst v63  }
0x75: {  	_ =	swait.ge [sflag:s31], $0x80  }
0x76: {  	[sflag:s31] =	ssyncset.done $0x0  }
0x77: {  	[sflag:s31] =	ssyncadd.s32 $0xFFFFFF80  }
0x78: {  	_ =	swait.ge [sflag:s28], $0x80  }
0x79: {  	[sflag:s28] =	ssyncset.done $0x0  }
0x7a: {  	[sflag:s28] =	ssyncadd.s32 $0xFFFFFF80  }
0x7b: {  	[tilespmem:s29], [sflag:$0x4] =	stream.indirect.gather [hbm4b:s1+s22], $0x80, s22, s22, $0xb8;
	[tilespmem:$0x1C180] =	vst v63  }
0x7c: {  	_ =	swait.ge [sflag:s30], $0x4000  }
0x7d: {  	[sflag:s30] =	ssyncset.done $0x0  }
0x7e: {  	[sflag:s30] =	ssyncadd.s32 $0xFFFFC000  }
0x7f: {  	[spmem:s2] =	stream.indirect.scatter.add.f32 [tilespmem:s29], [sflag:$0x5], $0x80, s23, s22, $0xb8;
	[tilespmem:$0x1C180] =	vst v63  }
.Ltmp1:
0x80: {  	_ =	swait.ge [sflag:s25], $0x4000;
	(pc) =	sbr.rel @p0 .LBB2_4-.Ltmp1, $4  }
0x81: {  	[sflag:s25] =	ssyncset.done $0x0  }
0x82: {  	s8 =	sadd.s32 $0x810, s7;
	[sflag:s25] =	ssyncadd.s32 $0xFFFFC000  }
0x83: {  	[tilespmem:s23], [sflag:$0x3] =	stream.linear.gather [hbm4b:s8+s3], $0x80, $0x38;
	[tilespmem:$0x1C180] =	vst v63  }
0x84: {  	s7 =	sadd.s32 $0xC00, s7  }
0x85: {  	[tilespmem:s22], [sflag:$0x2] =	stream.linear.gather [hbm4b:s7+s3], $0x80, $0x38;
	[tilespmem:$0x1C180] =	vst v63  }
0x86: {  	_ =	swait.ge [sflag:s26], $0x80  }
0x87: {  	[sflag:s26] =	ssyncset.done $0x0  }
0x88: {  	[sflag:s26] =	ssyncadd.s32 $0xFFFFFF80  }
0x89: {  	_ =	swait.ge [sflag:s28], $0x80  }
0x8a: {  	[sflag:s28] =	ssyncset.done $0x0  }
0x8b: {  	[sflag:s28] =	ssyncadd.s32 $0xFFFFFF80  }
0x8c: {  	[tilespmem:s29], [sflag:$0x4] =	stream.indirect.gather [hbm4b:s1+s22], $0x80, s3, s22, $0xb8;
	[tilespmem:$0x1C180] =	vst v63  }
0x8d: {  	_ =	swait.ge [sflag:s30], $0x4000  }
0x8e: {  	[sflag:s30] =	ssyncset.done $0x0  }
0x8f: {  	[sflag:s30] =	ssyncadd.s32 $0xFFFFC000  }
0x90: {  	[spmem:s2] =	stream.indirect.scatter.add.f32 [tilespmem:s29], [sflag:$0x5], $0x80, s23, s22, $0xb8;
	[tilespmem:$0x1C180] =	vst v63  }
0x91: {  	_ =	swait.ge [sflag:s25], $0x4000  }
0x92: {  	[sflag:s25] =	ssyncset.done $0x0  }
0x93: {  	[sflag:s25] =	ssyncadd.s32 $0xFFFFC000  }
0x94: {  	[tilespmem:s23], [sflag:$0x3] =	stream.linear.gather [hbm4b:s20+s3], $0x80, $0x38;
	[tilespmem:$0x1C180] =	vst v63  }
0x95: {  	_ =	swait.ge [sflag:s31], $0x80  }
0x96: {  	[sflag:s31] =	ssyncset.done $0x0  }
0x97: {  	[sflag:s31] =	ssyncadd.s32 $0xFFFFFF80  }
0x98: {  	_ =	swait.ge [sflag:s28], $0x80  }
0x99: {  	[sflag:s28] =	ssyncset.done $0x0  }
0x9a: {  	[sflag:s28] =	ssyncadd.s32 $0xFFFFFF80  }
0x9b: {  	[tilespmem:s29], [sflag:$0x4] =	stream.indirect.gather [hbm4b:s1+s22], $0x80, s22, s22, $0xb8;
	[tilespmem:$0x1C180] =	vst v63  }
0x9c: {  	_ =	swait.ge [sflag:s30], $0x4000  }
0x9d: {  	[sflag:s30] =	ssyncset.done $0x0  }
0x9e: {  	[sflag:s30] =	ssyncadd.s32 $0xFFFFC000  }
0x9f: {  	[spmem:s2] =	stream.indirect.scatter.add.f32 [tilespmem:s29], [sflag:$0x5], $0x80, s23, s22, $0xb8;
	[tilespmem:$0x1C180] =	vst v63  }
0xa0: {  	_ =	swait.ge [sflag:s25], $0x4000  }
0xa1: {  	[sflag:s25] =	ssyncset.done $0x0  }
0xa2: {  	[sflag:s25] =	ssyncadd.s32 $0xFFFFC000  }
0xa3: {  	s4 =	sor.u32 $0x1C05, s5;
	s8 =	sshrl.u32 s9, $0x3;
	[bflag:$0x0] =	sbarrier.arrive $0xFFFF  }
0xa4: {  	[hbm:s14], [sflag:s4] =	dma.local [spmem:s8], $0x800  }
0xa5: {  	_ =	swait.ge [sflag:s25], $0x800  }
0xa6: {  	[sflag:s25] =	ssyncset.done $0x0  }
0xa7: {  	s8 =	sshrl.u32 s10, $0x3;
	[sflag:s25] =	ssyncadd.s32 $0xFFFFF800  }
0xa8: {  	[hbm:s15], [sflag:s4] =	dma.local [spmem:s8], $0x800  }
0xa9: {  	_ =	swait.ge [sflag:s25], $0x800  }
0xaa: {  	[sflag:s25] =	ssyncset.done $0x0  }
0xab: {  	s8 =	sshrl.u32 s11, $0x3;
	[sflag:s25] =	ssyncadd.s32 $0xFFFFF800  }
0xac: {  	[hbm:s16], [sflag:s4] =	dma.local [spmem:s8], $0x800  }
0xad: {  	_ =	swait.ge [sflag:s25], $0x800  }
0xae: {  	[sflag:s25] =	ssyncset.done $0x0  }
0xaf: {  	s8 =	sshrl.u32 s12, $0x3;
	[sflag:s25] =	ssyncadd.s32 $0xFFFFF800  }
0xb0: {  	[hbm:s17], [sflag:s4] =	dma.local [spmem:s8], $0x800  }
0xb1: {  	s0 =	sadd.s32 $0x1, s0;
	_ =	swait.ge [sflag:s25], $0x800  }
0xb2: {  	p0 =	sne.s32 s0, s19;
	[sflag:s25] =	ssyncset.done $0x0  }
.Ltmp2:
0xb3: {  	s8 =	sshrl.u32 s13, $0x3;
	[sflag:s25] =	ssyncadd.s32 $0xFFFFF800;
	(pc) =	sbr.rel @p0 .LBB2_1-.Ltmp2, $4  }
0xb4: {  	[hbm:s18], [sflag:s4] =	dma.local [spmem:s8], $0x800  }
0xb5: {  	_ =	swait.ge [sflag:s25], $0x800  }
0xb6: {  	[sflag:s25] =	ssyncset.done $0x0  }
0xb7: {  	[sflag:s25] =	ssyncadd.s32 $0xFFFFF800  }
0xb8: {  	_ =	sfence.sel $0x180000  }
0xb9: {  	[bflag:$0x0] =	sbarrier.arrive $0xFFFF  }
0xba: {  	_ =	strace $0x90000047  }
0xbb: {  	s0 =	stileid.u32;
	[bflag:$0x2] =	sbarrier.arrive $0xFFFF  }
0xbc: {  	p0 =	sne.s32 s0, $0x0;
	s0 =	rddreg [dreg:$0x3]  }
0xbd: {  	s0 =	sadd.s32 @!p0 $0x100000, s0  }
0xbe: {  	[sflag:s0] =	ssyncadd.tile.s32 @!p0 $0x1;
	_ =	shalt  }
.Lfunc_end2:
_tile_overlayer_lowered:
.L_overlay_start_2:
0xbf: {  	(tag) =	ssettag $0x2  }
0xc0: {  	s0 =	rddreg [dreg:$0x0];
	s2 =	stileid.u32  }
0xc1: {  	s1 =	rddreg [dreg:$0x1];
	p0 =	sne.s32 s2, $0x0  }
0xc2: {  	s3 =	rddreg [dreg:$0x2];
	[bflag:$0x3] =	sbarrier.arrive $0xFFFF;
	s2 =	simm.s32 @!p0 $0x1C05  }
0xc3: {  	[timem:s3], [sflag:s2] =	dma.local @!p0 [hbm:s0], s1  }
0xc4: {  	s0 =	simm.s32 @!p0 $0x5  }
0xc5: {  	_ =	swait.ge @!p0 [sflag:s0], s1  }
0xc6: {  	s1 =	ssub.s32 @!p0 $0x0, s1;
	[sflag:s0] =	ssyncset.done @!p0 $0x0  }
0xc7: {  	[sflag:s0] =	ssyncadd.s32 @!p0 s1  }
0xc8: {  	[bflag:$0x3] =	sbarrier.arrive $0xFFFF  }
0xc9: {  	_ =	shalt  }

// kernel: kernel.9.cloned.1.call-start
scs
__scs_entry_jumppad:
0x0: {  	(pc) =	sbr.rel $0x88, $3  }
0x1: {  	(tag) =	ssettag $0x0;
	lr =	simm.s32 $0x1  }
0x2: {  	[smem:$0x3F8F] =	sst lr;
	_ =	strace $0xD0000000  }
0x3: {  	_ = 	snop  }
0x4: {  	_ = 	snop  }
0x5: {  	_ = 	snop  }
0x6: {  	_ = 	snop  }
0x7: {  	_ = 	snop  }
__scs_overlays_trampoline_lowered:
0x8: {  	[smem:$0x3F9E] =	sst s0  }
0x9: {  	[smem:$0x3F9F] =	sst s1  }
0xa: {  	[smem:$0x3FA0] =	sst s2  }
0xb: {  	[smem:$0x3FA1] =	sst s3  }
0xc: {  	[smem:$0x3FA2] =	sst s4  }
0xd: {  	[smem:$0x3FA3] =	sst s5  }
0xe: {  	[smem:$0x3FA4] =	sst s6  }
0xf: {  	[smem:$0x3FA5] =	sst s7  }
0x10: {  	[smem:$0x3FA6] =	sst s8  }
0x11: {  	[smem:$0x3FA7] =	sst s9;
	s0 =	simm.s32 @!p0 $0x0  }
0x12: {  	s1 =	sld [smem:$0x3F8D];
	s0 =	simm.s32 @p0 $0x1  }
0x13: {  	[smem:$0x3FA8] =	sst s0;
	s0 =	simm.s32 @!p1 $0x0  }
0x14: {  	s2 =	sld [smem:$0x3F8C];
	s0 =	simm.s32 @p1 $0x1  }
0x15: {  	[smem:$0x3FA9] =	sst s0;
	s0 =	simm.s32 @!p2 $0x0  }
0x16: {  	s3 =	sld [smem:$0x3FDB];
	s0 =	simm.s32 @p2 $0x1  }
0x17: {  	s4 =	simm.s32 $0x1BF5;
	[smem:$0x3FAB] =	sst s0  }
0x18: {  	s0 =	sld [smem:$0x3F8E];
	_ =	swait.ge [sflag:s4], $0x0  }
0x19: {  	s7 =	sld [smem:$0x3F8F]  }
0x1a: {  	s8 =	sadd.s32 $0xFFFFE003, lr  }
0x1b: {  	s9 =	sadd.s32 $0xFFFFFEF7, lr;
	s5 =	simm.s32 $0xFFFFFFFF;
	p2 =	slt.u32 s8, $0xFFFFF086  }
0x1c: {  	p1 =	slt.u32 s9, $0xF7A;
	s5 =	simm.s32 @!p2 $0x0  }
0x1d: {  	s5 =	simm.s32 @p1 $0x1;
	p0 =	seq.s32 s7, s2  }
0x1e: {  	s7 =	smul.u32 @!p0 $0xF7A, s2;
	p2 =	seq.s32 @!p0 s5, $0x0  }
0x1f: {  	s9 =	smul.u32 $0xF7A, s1;
	s8 =	simm.s32 @!p0 $0x1BF5;
	p2 =	por !p2, p0  }
0x20: {  	[sflag:s8] =	ssyncset.s32 @!p0 $0xFFFFF086;
	s6 =	sadd.s32 @!p0 s3, s7;
	s7 =	simm.s32 @!p0 $0x108  }
0x21: {  	s3 =	sadd.s32 s3, s9;
	s6 =	sadd.s32 @!p0 $0x88, s6;
	s7 =	simm.s32 @p2 $0x1082  }
0x22: {  	[simem:s7], [sflag:s8] =	dma.local @!p0 [hbm:s6], $0xF7A  }
0x23: {  	s9 =	sor.u32 $0xD0000000, s2;
	s6 =	simm.s32 $0x108;
	_ =	swait.ge @!p0 [sflag:s8], $0x0  }
0x24: {  	s3 =	sadd.s32 $0x88, s3;
	s6 =	simm.s32 @!p1 $0x1082;
	[sflag:s4] =	ssyncset.s32 $0xFFFFF086  }
0x25: {  	[simem:s6], [sflag:s4] =	dma.local [hbm:s3], $0xF7A  }
0x26: {  	[smem:$0x3F8F] =	sst s1;
	(tag) =	ssettag s2;
	_ =	strace s9  }
0x27: {  	s1 =	sld [smem:$0x3F9F]  }
0x28: {  	s2 =	sld [smem:$0x3FA0]  }
0x29: {  	s4 =	sld [smem:$0x3FA2]  }
0x2a: {  	p0 =	seq.s32 s5, $0x0;
	s5 =	sld [smem:$0x3FA3]  }
0x2b: {  	s6 =	sld [smem:$0x3FA4]  }
0x2c: {  	s7 =	sld [smem:$0x3FA5]  }
0x2d: {  	s3 =	simm.s32 $0x108;
	s8 =	sld [smem:$0x3FA6]  }
0x2e: {  	s3 =	simm.s32 @!p0 $0x1082;
	s9 =	sld [smem:$0x3FA7]  }
0x2f: {  	lr =	sadd.s32 s0, s3;
	s0 =	sld [smem:$0x3F9E]  }
0x30: {  	s3 =	sld [smem:$0x3FA1]  }
0x31: {  	[smem:$0x3FAA] =	sst s10  }
0x32: {  	s10 =	sld [smem:$0x3FA8];
	_ =	sdelay $0x3  }
0x33: {  	p0 =	seq.s32 s10, $0x1;
	s10 =	sld [smem:$0x3FAA];
	_ =	sdelay $0x3  }
0x34: {  	[smem:$0x3FAA] =	sst s10  }
0x35: {  	s10 =	sld [smem:$0x3FA9];
	_ =	sdelay $0x3  }
0x36: {  	p1 =	seq.s32 s10, $0x1;
	s10 =	sld [smem:$0x3FAA];
	_ =	sdelay $0x3  }
0x37: {  	[smem:$0x3FAA] =	sst s10  }
0x38: {  	s10 =	sld [smem:$0x3FAB]  }
0x39: {  	_ = 	snop;
	(pc) =	sbr.ind lr, $3  }
0x3a: {  	_ = 	snop  }
0x3b: {  	_ = 	snop  }
0x3c: {  	p2 =	seq.s32 s10, $0x1;
	s10 =	sld [smem:$0x3FAA]  }
0x3d: {  	_ =	shalt  }
0x3e: {  	_ =	shalt  }
0x3f: {  	_ =	shalt  }
0x40: {  	_ =	shalt  }
0x41: {  	_ =	shalt  }
0x42: {  	_ =	shalt  }
0x43: {  	_ =	shalt  }
0x44: {  	_ =	shalt  }
0x45: {  	_ =	shalt  }
0x46: {  	_ =	shalt  }
0x47: {  	_ =	shalt  }
0x48: {  	_ =	shalt  }
0x49: {  	_ =	shalt  }
0x4a: {  	_ =	shalt  }
0x4b: {  	_ =	shalt  }
0x4c: {  	_ =	shalt  }
0x4d: {  	_ =	shalt  }
0x4e: {  	_ =	shalt  }
0x4f: {  	_ =	shalt  }
0x50: {  	_ =	shalt  }
0x51: {  	_ =	shalt  }
0x52: {  	_ =	shalt  }
0x53: {  	_ =	shalt  }
0x54: {  	_ =	shalt  }
0x55: {  	_ =	shalt  }
0x56: {  	_ =	shalt  }
0x57: {  	_ =	shalt  }
0x58: {  	_ =	shalt  }
0x59: {  	_ =	shalt  }
0x5a: {  	_ =	shalt  }
0x5b: {  	_ =	shalt  }
0x5c: {  	_ =	shalt  }
0x5d: {  	_ =	shalt  }
0x5e: {  	_ =	shalt  }
0x5f: {  	_ =	shalt  }
0x60: {  	_ =	shalt  }
0x61: {  	_ =	shalt  }
0x62: {  	_ =	shalt  }
0x63: {  	_ =	shalt  }
0x64: {  	_ =	shalt  }
0x65: {  	_ =	shalt  }
0x66: {  	_ =	shalt  }
0x67: {  	_ =	shalt  }
0x68: {  	_ =	shalt  }
0x69: {  	_ =	shalt  }
0x6a: {  	_ =	shalt  }
0x6b: {  	_ =	shalt  }
0x6c: {  	_ =	shalt  }
0x6d: {  	_ =	shalt  }
0x6e: {  	_ =	shalt  }
0x6f: {  	_ =	shalt  }
0x70: {  	_ =	shalt  }
0x71: {  	_ =	shalt  }
0x72: {  	_ =	shalt  }
0x73: {  	_ =	shalt  }
0x74: {  	_ =	shalt  }
0x75: {  	_ =	shalt  }
0x76: {  	_ =	shalt  }
0x77: {  	_ =	shalt  }
0x78: {  	_ =	shalt  }
0x79: {  	_ =	shalt  }
0x7a: {  	_ =	shalt  }
0x7b: {  	_ =	shalt  }
0x7c: {  	_ =	shalt  }
0x7d: {  	_ =	shalt  }
0x7e: {  	_ =	shalt  }
0x7f: {  	_ =	shalt  }
0x80: {  	_ =	shalt  }
0x81: {  	_ =	shalt  }
0x82: {  	_ =	shalt  }
0x83: {  	_ =	shalt  }
0x84: {  	_ =	shalt  }
0x85: {  	_ =	shalt  }
0x86: {  	_ =	shalt  }
0x87: {  	_ =	shalt  }
.Lfunc_end0:
.L_simem_size_0:
called_computation.1_lowered:
.L_overlay_start_0:
0x88: {  	s2 =	sld [smem:$0x3FD9]  }
0x89: {  	s3 =	sld [smem:$0x3FFE];
	_ =	sdelay $0x1  }
0x8a: {  	s1 =	srdreg.scid  }
0x8b: {  	s0 =	sand.u32 $0x1, s1  }
0x8c: {  	s17 =	sshll.u32 s0, $0xA;
	s2 =	sadd.s32 s3, s2  }
0x8d: {  	s2 =	sadd.s32 s2, s17  }
0x8e: {  	[smem:$0x3FB6] =	sst s2  }
0x8f: {  	_ = 	snop  }
0x90: {  	s2 =	sld [smem:$0x3FD0];
	(tm) =	ssettm $0x1  }
0x91: {  	s18 =	sld [smem:$0x3FFB];
	_ =	sdelay $0x3  }
0x92: {  	_ =	strace s18  }
0x93: {  	s3 =	sld [smem:$0x3FFC];
	_ =	sdelay $0x3  }
0x94: {  	_ =	strace s3  }
0x95: {  	s3 =	sld [smem:$0x3FFD];
	_ =	sdelay $0x3  }
0x96: {  	_ =	strace s3  }
0x97: {  	_ =	strace $0x8FFFFFFF  }
0x98: {  	s19 =	sld [smem:$0x3FDB];
	_ =	sdelay $0x1  }
0x99: {  	s4 =	simm.s32 $_scs_section_size  }
0x9a: {  	s5 =	simm.s32 $_size__tile_overlayer_lowered;
	s6 =	simm.s32 $_tile_overlayer_lowered  }
0x9b: {  	s22 =	simm.s32 $0x1BFF;
	s21 =	sshll.u32 s6, $0x1;
	s3 =	sadd.s32 s4, s19  }
0x9c: {  	s7 =	simm.s32 $0x0;
	s20 =	sshll.u32 s5, $0x1;
	s5 =	sadd.s32 s21, s3  }
0x9d: {  	[timem:s7], [sflag:s22] =	dma.local [hbm:s5], s20  }
0x9e: {  	_ =	swait.ge [sflag:s22], s20  }
0x9f: {  	s4 =	ssub.s32 $0x0, s20;
	[sflag:s22] =	ssyncset.done $0x0  }
0xa0: {  	[sflag:s22] =	ssyncadd.s32 s4;
	_ =	sdelay $0x1  }
0xa1: {  	s23 =	simm.s32 $0x1B8B  }
0xa2: {  	_ =	swait.ge [sflag:s23], $0x1  }
0xa3: {  	[sflag:s23] =	ssyncset.done $0x0  }
0xa4: {  	s25 =	simm.s32 $0x1B8E;
	s24 =	sld [smem:$0x3FFE];
	[sflag:s23] =	ssyncadd.s32 $0xFFFFFFFF  }
0xa5: {  	s26 =	simm.s32 $execute0_lowered;
	[smem:$0x3FD2] =	sst s25  }
0xa6: {  	s5 =	sshll.u32 s26, $0x1;
	_ =	strace $0x80000049;
	[dreg:$0x1] =	wrdreg $0xFFFFFFFF  }
0xa7: {  	s28 =	simm.s32 $_size_execute0_lowered;
	s3 =	sadd.s32 s3, s5;
	[dreg:$0x0] =	wrdreg $0x0  }
0xa8: {  	s5 =	sshll.u32 s28, $0x1;
	[dreg:$0x2] =	wrdreg s3  }
0xa9: {  	[dreg:$0x3] =	wrdreg s5  }
0xaa: {  	[dreg:$0x4] =	wrdreg $0xC0  }
0xab: {  	_ =	task [dreg:s7], $0x5FFFF  }
0xac: {  	[dreg:$0x1] =	wrdreg $0xFFFFFFFF  }
0xad: {  	[dreg:$0x0] =	wrdreg $0x60  }
0xae: {  	[dreg:$0x2] =	wrdreg s2  }
0xaf: {  	[dreg:$0x3] =	wrdreg s24  }
0xb0: {  	[dreg:$0x4] =	wrdreg $0x81800  }
0xb1: {  	[dreg:$0x5] =	wrdreg $0x9  }
0xb2: {  	_ =	task.clear_ibuf [dreg:s7], $0x6FFFF;
	_ =	strace $0x90000049  }
0xb3: {  	s29 =	simm.s32 $0x9;
	_ =	strace $0x8000004B  }
0xb4: {  	_ =	swait.ge [sflag:s29], $0x1  }
0xb5: {  	[sflag:s29] =	ssyncadd.s32 $0xFFFFFFFF  }
0xb6: {  	_ =	strace $0x9000004B  }
0xb7: {  	_ =	sfence  }
0xb8: {  	s30 =	sld [smem:$0x0];
	_ =	sdelay $0x2  }
0xb9: {  	s31 =	sshll.u32 s1, $0xD;
	s1 =	sshrl.u32 s1, $0x2  }
0xba: {  	s3 =	sand.u32 $0x4000, s31;
	s1 =	sadd.s32 s1, s30  }
0xbb: {  	s0 =	sor.u32 s3, s0;
	s1 =	sshll.u32 s1, $0x11  }
0xbc: {  	s0 =	sor.u32 s1, s0  }
0xbd: {  	s0 =	sadd.s32 $0x8F2B, s0  }
0xbe: {  	[sflag:s0] =	ssyncadd.remote.s32 $0x1  }
0xbf: {  	_ =	sfence.sel $0xFFFF  }
0xc0: {  	[dreg:$0x0] =	wrdreg $0xFFFFFFFF;
	(pc) =	sbr.abs _section_cstart, $3  }
0xc1: {  	[dreg:$0x1] =	wrdreg $0xFFFFFFFF  }
0xc2: {  	_ =	task.clear_ibuf [dreg:s7], $0x2FFFF;
	_ =	strace $0x9FFFFFFF  }
0xc3: {  	(tm) =	ssettm $0x7FFFFFFF  }
tec
execute0_lowered:
.L_overlay_start_1:
0x0: {  	(tag) =	ssettag $0x1  }
0x1: {  	s1 =	rddreg [dreg:$0x0]  }
0x2: {  	s0 =	rddreg [dreg:$0x1]  }
0x3: {  	s2 =	rddreg [dreg:$0x2];
	s3 =	simm.s32 $0x0  }
0x4: {  	s5 =	srdreg.scid;
	s11 =	stileid.u32;
	s28 =	simm.s32 $0x3  }
0x5: {  	s29 =	simm.s32 $0x180;
	s30 =	simm.s32 $0x4;
	s31 =	simm.s32 $0x2  }
0x6: {  	[smem:$0x7FF] =	sst s3;
	s4 =	sadd.s32 $0x3800, s0;
	s0 =	sadd.s32 $0x17800, s0  }
0x7: {  	s7 =	sand.u32 $0x1, s5;
	s5 =	sshll.u32 s11, $0x6;
	s10 =	smul.u32 $0x50000, s11  }
0x8: {  	s13 =	smul.u32 $0x14000, s11;
	_ =	strace $0x8000004A;
	s6 =	ssub.s32 $0x2, s7  }
0x9: {  	s21 =	sshll.u32 s7, $0x5;
	s7 =	smul.u32 $0x140000, s7;
	s26 =	sadd.s32 s5, s4  }
0xa: {  	s8 =	sshrl.u32 s6, $0x1;
	s9 =	sor.u32 s21, s5;
	s24 =	sshrl.u32 s10, $0x2  }
0xb: {  	s14 =	sadd.s32 $0x4000, s13;
	s16 =	sadd.s32 $0x8000, s13;
	s17 =	sadd.s32 $0xC000, s13  }
0xc: {  	s18 =	sadd.s32 $0x10000, s13;
	s21 =	sadd.s32 s21, s26;
	s26 =	simm.s32 $0x1  }
0xd: {  	s19 =	ssub.s32 s6, s8;
	s6 =	sadd.s32 s4, s9;
	s9 =	sadd.s32 s24, s2  }
0xe: {  	s10 =	sadd.s32 s14, s2;
	s11 =	sadd.s32 s16, s2;
	s12 =	sadd.s32 s17, s2  }
0xf: {  	s15 =	sadd.s32 s13, s7;
	s20 =	sadd.s32 s7, s14;
	s13 =	sadd.s32 s18, s2  }
0x10: {  	s16 =	sadd.s32 s7, s16;
	s17 =	sadd.s32 s7, s17;
	s7 =	sadd.s32 s7, s18  }
0x11: {  	s24 =	simm.s32 $0x4180;
	s22 =	sadd.s32 $0x400, s6;
	s23 =	sadd.s32 $0x10, s6  }
0x12: {  	s15 =	sshrl.u32 s15, $0x3;
	s25 =	sshrl.u32 s20, $0x3;
	s16 =	sshrl.u32 s16, $0x3  }
0x13: {  	s17 =	sshrl.u32 s17, $0x3;
	s7 =	sshrl.u32 s7, $0x3;
	[dreg:$0x4] =	wrdreg s22  }
0x14: {  	s19 =	smax.u32 s19, $0x1;
	s20 =	sadd.s32 $0x13C10, s6;
	[dreg:$0x5] =	wrdreg s23  }
0x15: {  	s14 =	sadd.s32 s0, s15;
	s15 =	sadd.s32 s0, s25;
	s16 =	sadd.s32 s0, s16  }
0x16: {  	s17 =	sadd.s32 s0, s17;
	s18 =	sadd.s32 s0, s7;
	s22 =	simm.s32 $0x80  }
0x17: {  	v0 =	vimm.f32 $0.0e+00;
	s23 =	simm.s32 $0x100;
	s25 =	simm.s32 $0x5;
	s0 =	simm.s32 $0x0  }
.LBB2_1:
0x18: {  	[tilespmem:s3], [sflag:$0x1] =	stream.linear.gather [hbm4b:s6+s3], $0x80, $0x38;
	[tilespmem:$0x1C180] =	vst v63  }
0x19: {  	s4 =	rddreg [dreg:$0x4]  }
0x1a: {  	[tilespmem:s22], [sflag:$0x2] =	stream.linear.gather [hbm4b:s4+s3], $0x80, $0x38;
	[tilespmem:$0x1C180] =	vst v63  }
0x1b: {  	s8 =	rddreg [dreg:$0x5];
	s7 =	simm.s32 $0x200;
	s4 =	simm.s32 $0x0  }
0x1c: {  	[tilespmem:s23], [sflag:$0x3] =	stream.linear.gather [hbm4b:s8+s3], $0x80, $0x38;
	[tilespmem:$0x1C180] =	vst v63  }
.LBB2_2:
0x1d: {  	p0 =	sne.s32 s7, $0xFE00;
	[tilespmem:s4+$0x41F0] =	vst v0  }
0x1e: {  	[tilespmem:s4+$0x4180] =	vst v0  }
0x1f: {  	[tilespmem:s4+$0x4190] =	vst v0  }
.Ltmp0:
0x20: {  	[tilespmem:s4+$0x41A0] =	vst v0;
	(pc) =	sbr.rel @p0 .LBB2_2-.Ltmp0, $4  }
0x21: {  	[tilespmem:s4+$0x41B0] =	vst v0  }
0x22: {  	[tilespmem:s4+$0x41C0] =	vst v0  }
0x23: {  	[tilespmem:s4+$0x41D0] =	vst v0  }
0x24: {  	[tilespmem:s4+$0x41E0] =	vst v0;
	s4 =	sshra.s32 s7, $0x2;
	s7 =	sadd.s32 $0x200, s7  }
0x25: {  	[tilespmem:s4+$0x41F0] =	vst v0  }
0x26: {  	[tilespmem:s4+$0x4180] =	vst v0  }
0x27: {  	[tilespmem:s4+$0x4190] =	vst v0  }
0x28: {  	[tilespmem:s4+$0x41A0] =	vst v0  }
0x29: {  	[tilespmem:s4+$0x41B0] =	vst v0  }
0x2a: {  	[tilespmem:s4+$0x41C0] =	vst v0  }
0x2b: {  	[tilespmem:s4+$0x41D0] =	vst v0  }
0x2c: {  	[tilespmem:s4+$0x41E0] =	vst v0  }
0x2d: {  	[spmem:s9] =	stream.linear.scatter [tilespmem:s24], [sflag:$0x5], $0x4000, $0x38;
	[tilespmem:$0x1C180] =	vst v63  }
0x2e: {  	_ =	swait.ge [sflag:s25], $0x4000  }
0x2f: {  	[sflag:s25] =	ssyncset.done $0x0  }
0x30: {  	[sflag:s25] =	ssyncadd.s32 $0xFFFFC000  }
0x31: {  	[spmem:s10] =	stream.linear.scatter [tilespmem:s24], [sflag:$0x5], $0x4000, $0x38;
	[tilespmem:$0x1C180] =	vst v63  }
0x32: {  	_ =	swait.ge [sflag:s25], $0x4000  }
0x33: {  	[sflag:s25] =	ssyncset.done $0x0  }
0x34: {  	[sflag:s25] =	ssyncadd.s32 $0xFFFFC000  }
0x35: {  	[spmem:s11] =	stream.linear.scatter [tilespmem:s24], [sflag:$0x5], $0x4000, $0x38;
	[tilespmem:$0x1C180] =	vst v63  }
0x36: {  	_ =	swait.ge [sflag:s25], $0x4000  }
0x37: {  	[sflag:s25] =	ssyncset.done $0x0  }
0x38: {  	[sflag:s25] =	ssyncadd.s32 $0xFFFFC000  }
0x39: {  	[spmem:s12] =	stream.linear.scatter [tilespmem:s24], [sflag:$0x5], $0x4000, $0x38;
	[tilespmem:$0x1C180] =	vst v63  }
0x3a: {  	_ =	swait.ge [sflag:s25], $0x4000  }
0x3b: {  	[sflag:s25] =	ssyncset.done $0x0  }
0x3c: {  	[sflag:s25] =	ssyncadd.s32 $0xFFFFC000  }
0x3d: {  	[spmem:s13] =	stream.linear.scatter [tilespmem:s24], [sflag:$0x5], $0x4000, $0x38;
	[tilespmem:$0x1C180] =	vst v63  }
0x3e: {  	_ =	swait.ge [sflag:s25], $0x4000  }
0x3f: {  	[sflag:s25] =	ssyncset.done $0x0  }
0x40: {  	[sflag:s25] =	ssyncadd.s32 $0xFFFFC000  }
0x41: {  	[bflag:$0x0] =	sbarrier.arrive $0xFFFF  }
0x42: {  	_ =	swait.ge [sflag:s26], $0x80  }
0x43: {  	[sflag:s26] =	ssyncset.done $0x0  }
0x44: {  	[sflag:s26] =	ssyncadd.s32 $0xFFFFFF80  }
0x45: {  	_ =	swait.ge [sflag:s28], $0x80  }
0x46: {  	[sflag:s28] =	ssyncset.done $0x0  }
0x47: {  	[sflag:s28] =	ssyncadd.s32 $0xFFFFFF80  }
0x48: {  	[tilespmem:s29], [sflag:$0x4] =	stream.indirect.gather [hbm4b:s1+s22], $0x80, s3, s22, $0xb8;
	[tilespmem:$0x1C180] =	vst v63  }
0x49: {  	_ =	swait.ge [sflag:s30], $0x4000  }
0x4a: {  	[sflag:s30] =	ssyncset.done $0x0  }
0x4b: {  	[sflag:s30] =	ssyncadd.s32 $0xFFFFC000  }
0x4c: {  	[spmem:s2] =	stream.indirect.scatter.add.f32 [tilespmem:s29], [sflag:$0x5], $0x80, s23, s22, $0xb8;
	[tilespmem:$0x1C180] =	vst v63  }
0x4d: {  	_ =	swait.ge [sflag:s25], $0x4000  }
0x4e: {  	s7 =	sadd.s32 $0x0, s21;
	[sflag:s25] =	ssyncset.done $0x0  }
0x4f: {  	s8 =	sadd.s32 $0x410, s7;
	[sflag:s25] =	ssyncadd.s32 $0xFFFFC000  }
0x50: {  	[tilespmem:s23], [sflag:$0x3] =	stream.linear.gather [hbm4b:s8+s3], $0x80, $0x38;
	[tilespmem:$0x1C180] =	vst v63  }
0x51: {  	s8 =	sadd.s32 $0x800, s7  }
0x52: {  	[tilespmem:s3], [sflag:$0x1] =	stream.linear.gather [hbm4b:s8+s3], $0x80, $0x38;
	[tilespmem:$0x1C180] =	vst v63  }
0x53: {  	_ =	swait.ge [sflag:s31], $0x80  }
0x54: {  	[sflag:s31] =	ssyncset.done $0x0  }
0x55: {  	[sflag:s31] =	ssyncadd.s32 $0xFFFFFF80  }
0x56: {  	_ =	swait.ge [sflag:s28], $0x80  }
0x57: {  	[sflag:s28] =	ssyncset.done $0x0  }
0x58: {  	[sflag:s28] =	ssyncadd.s32 $0xFFFFFF80  }
0x59: {  	[tilespmem:s29], [sflag:$0x4] =	stream.indirect.gather [hbm4b:s1+s22], $0x80, s22, s22, $0xb8;
	[tilespmem:$0x1C180] =	vst v63  }
0x5a: {  	_ =	swait.ge [sflag:s30], $0x4000  }
0x5b: {  	[sflag:s30] =	ssyncset.done $0x0  }
0x5c: {  	[sflag:s30] =	ssyncadd.s32 $0xFFFFC000  }
0x5d: {  	[spmem:s2] =	stream.indirect.scatter.add.f32 [tilespmem:s29], [sflag:$0x5], $0x80, s23, s22, $0xb8;
	[tilespmem:$0x1C180] =	vst v63  }
0x5e: {  	_ =	swait.ge [sflag:s25], $0x4000  }
0x5f: {  	s4 =	simm.s32 $0x800;
	[sflag:s25] =	ssyncset.done $0x0  }
0x60: {  	s8 =	sadd.s32 $0x810, s7;
	s7 =	sadd.s32 $0xC00, s7;
	[sflag:s25] =	ssyncadd.s32 $0xFFFFC000  }
0x61: {  	[tilespmem:s23], [sflag:$0x3] =	stream.linear.gather [hbm4b:s8+s3], $0x80, $0x38;
	[tilespmem:$0x1C180] =	vst v63  }
.LBB2_4:
0x62: {  	[tilespmem:s22], [sflag:$0x2] =	stream.linear.gather [hbm4b:s7+s3], $0x80, $0x38;
	[tilespmem:$0x1C180] =	vst v63  }
0x63: {  	s7 =	smov.u32 s4  }
0x64: {  	p0 =	sne.s32 s4, $0x13000;
	s4 =	sadd.s32 $0x800, s4;
	_ =	swait.ge [sflag:s26], $0x80  }
0x65: {  	[sflag:s26] =	ssyncset.done $0x0  }
0x66: {  	[sflag:s26] =	ssyncadd.s32 $0xFFFFFF80  }
0x67: {  	_ =	swait.ge [sflag:s28], $0x80  }
0x68: {  	[sflag:s28] =	ssyncset.done $0x0  }
0x69: {  	[sflag:s28] =	ssyncadd.s32 $0xFFFFFF80  }
0x6a: {  	[tilespmem:s29], [sflag:$0x4] =	stream.indirect.gather [hbm4b:s1+s22], $0x80, s3, s22, $0xb8;
	[tilespmem:$0x1C180] =	vst v63  }
0x6b: {  	_ =	swait.ge [sflag:s30], $0x4000  }
0x6c: {  	[sflag:s30] =	ssyncset.done $0x0  }
0x6d: {  	[sflag:s30] =	ssyncadd.s32 $0xFFFFC000  }
0x6e: {  	[spmem:s2] =	stream.indirect.scatter.add.f32 [tilespmem:s29], [sflag:$0x5], $0x80, s23, s22, $0xb8;
	[tilespmem:$0x1C180] =	vst v63  }
0x6f: {  	_ =	swait.ge [sflag:s25], $0x4000  }
0x70: {  	s7 =	sadd.s32 s7, s21;
	[sflag:s25] =	ssyncset.done $0x0  }
0x71: {  	s8 =	sadd.s32 $0x410, s7;
	[sflag:s25] =	ssyncadd.s32 $0xFFFFC000  }
0x72: {  	[tilespmem:s23], [sflag:$0x3] =	stream.linear.gather [hbm4b:s8+s3], $0x80, $0x38;
	[tilespmem:$0x1C180] =	vst v63  }
0x73: {  	s8 =	sadd.s32 $0x800, s7  }
0x74: {  	[tilespmem:s3], [sflag:$0x1] =	stream.linear.gather [hbm4b:s8+s3], $0x80, $0x38;
	[tilespmem:$0x1C180] =	vst v63  }
0x75: {  	_ =	swait.ge [sflag:s31], $0x80  }
0x76: {  	[sflag:s31] =	ssyncset.done $0x0  }
0x77: {  	[sflag:s31] =	ssyncadd.s32 $0xFFFFFF80  }
0x78: {  	_ =	swait.ge [sflag:s28], $0x80  }
0x79: {  	[sflag:s28] =	ssyncset.done $0x0  }
0x7a: {  	[sflag:s28] =	ssyncadd.s32 $0xFFFFFF80  }
0x7b: {  	[tilespmem:s29], [sflag:$0x4] =	stream.indirect.gather [hbm4b:s1+s22], $0x80, s22, s22, $0xb8;
	[tilespmem:$0x1C180] =	vst v63  }
0x7c: {  	_ =	swait.ge [sflag:s30], $0x4000  }
0x7d: {  	[sflag:s30] =	ssyncset.done $0x0  }
0x7e: {  	[sflag:s30] =	ssyncadd.s32 $0xFFFFC000  }
0x7f: {  	[spmem:s2] =	stream.indirect.scatter.add.f32 [tilespmem:s29], [sflag:$0x5], $0x80, s23, s22, $0xb8;
	[tilespmem:$0x1C180] =	vst v63  }
.Ltmp1:
0x80: {  	_ =	swait.ge [sflag:s25], $0x4000;
	(pc) =	sbr.rel @p0 .LBB2_4-.Ltmp1, $4  }
0x81: {  	[sflag:s25] =	ssyncset.done $0x0  }
0x82: {  	s8 =	sadd.s32 $0x810, s7;
	[sflag:s25] =	ssyncadd.s32 $0xFFFFC000  }
0x83: {  	[tilespmem:s23], [sflag:$0x3] =	stream.linear.gather [hbm4b:s8+s3], $0x80, $0x38;
	[tilespmem:$0x1C180] =	vst v63  }
0x84: {  	s7 =	sadd.s32 $0xC00, s7  }
0x85: {  	[tilespmem:s22], [sflag:$0x2] =	stream.linear.gather [hbm4b:s7+s3], $0x80, $0x38;
	[tilespmem:$0x1C180] =	vst v63  }
0x86: {  	_ =	swait.ge [sflag:s26], $0x80  }
0x87: {  	[sflag:s26] =	ssyncset.done $0x0  }
0x88: {  	[sflag:s26] =	ssyncadd.s32 $0xFFFFFF80  }
0x89: {  	_ =	swait.ge [sflag:s28], $0x80  }
0x8a: {  	[sflag:s28] =	ssyncset.done $0x0  }
0x8b: {  	[sflag:s28] =	ssyncadd.s32 $0xFFFFFF80  }
0x8c: {  	[tilespmem:s29], [sflag:$0x4] =	stream.indirect.gather [hbm4b:s1+s22], $0x80, s3, s22, $0xb8;
	[tilespmem:$0x1C180] =	vst v63  }
0x8d: {  	_ =	swait.ge [sflag:s30], $0x4000  }
0x8e: {  	[sflag:s30] =	ssyncset.done $0x0  }
0x8f: {  	[sflag:s30] =	ssyncadd.s32 $0xFFFFC000  }
0x90: {  	[spmem:s2] =	stream.indirect.scatter.add.f32 [tilespmem:s29], [sflag:$0x5], $0x80, s23, s22, $0xb8;
	[tilespmem:$0x1C180] =	vst v63  }
0x91: {  	_ =	swait.ge [sflag:s25], $0x4000  }
0x92: {  	[sflag:s25] =	ssyncset.done $0x0  }
0x93: {  	[sflag:s25] =	ssyncadd.s32 $0xFFFFC000  }
0x94: {  	[tilespmem:s23], [sflag:$0x3] =	stream.linear.gather [hbm4b:s20+s3], $0x80, $0x38;
	[tilespmem:$0x1C180] =	vst v63  }
0x95: {  	_ =	swait.ge [sflag:s31], $0x80  }
0x96: {  	[sflag:s31] =	ssyncset.done $0x0  }
0x97: {  	[sflag:s31] =	ssyncadd.s32 $0xFFFFFF80  }
0x98: {  	_ =	swait.ge [sflag:s28], $0x80  }
0x99: {  	[sflag:s28] =	ssyncset.done $0x0  }
0x9a: {  	[sflag:s28] =	ssyncadd.s32 $0xFFFFFF80  }
0x9b: {  	[tilespmem:s29], [sflag:$0x4] =	stream.indirect.gather [hbm4b:s1+s22], $0x80, s22, s22, $0xb8;
	[tilespmem:$0x1C180] =	vst v63  }
0x9c: {  	_ =	swait.ge [sflag:s30], $0x4000  }
0x9d: {  	[sflag:s30] =	ssyncset.done $0x0  }
0x9e: {  	[sflag:s30] =	ssyncadd.s32 $0xFFFFC000  }
0x9f: {  	[spmem:s2] =	stream.indirect.scatter.add.f32 [tilespmem:s29], [sflag:$0x5], $0x80, s23, s22, $0xb8;
	[tilespmem:$0x1C180] =	vst v63  }
0xa0: {  	_ =	swait.ge [sflag:s25], $0x4000  }
0xa1: {  	[sflag:s25] =	ssyncset.done $0x0  }
0xa2: {  	[sflag:s25] =	ssyncadd.s32 $0xFFFFC000  }
0xa3: {  	s4 =	sor.u32 $0x1C05, s5;
	s8 =	sshrl.u32 s9, $0x3;
	[bflag:$0x0] =	sbarrier.arrive $0xFFFF  }
0xa4: {  	[hbm:s14], [sflag:s4] =	dma.local [spmem:s8], $0x800  }
0xa5: {  	_ =	swait.ge [sflag:s25], $0x800  }
0xa6: {  	[sflag:s25] =	ssyncset.done $0x0  }
0xa7: {  	s8 =	sshrl.u32 s10, $0x3;
	[sflag:s25] =	ssyncadd.s32 $0xFFFFF800  }
0xa8: {  	[hbm:s15], [sflag:s4] =	dma.local [spmem:s8], $0x800  }
0xa9: {  	_ =	swait.ge [sflag:s25], $0x800  }
0xaa: {  	[sflag:s25] =	ssyncset.done $0x0  }
0xab: {  	s8 =	sshrl.u32 s11, $0x3;
	[sflag:s25] =	ssyncadd.s32 $0xFFFFF800  }
0xac: {  	[hbm:s16], [sflag:s4] =	dma.local [spmem:s8], $0x800  }
0xad: {  	_ =	swait.ge [sflag:s25], $0x800  }
0xae: {  	[sflag:s25] =	ssyncset.done $0x0  }
0xaf: {  	s8 =	sshrl.u32 s12, $0x3;
	[sflag:s25] =	ssyncadd.s32 $0xFFFFF800  }
0xb0: {  	[hbm:s17], [sflag:s4] =	dma.local [spmem:s8], $0x800  }
0xb1: {  	s0 =	sadd.s32 $0x1, s0;
	_ =	swait.ge [sflag:s25], $0x800  }
0xb2: {  	p0 =	sne.s32 s0, s19;
	[sflag:s25] =	ssyncset.done $0x0  }
.Ltmp2:
0xb3: {  	s8 =	sshrl.u32 s13, $0x3;
	[sflag:s25] =	ssyncadd.s32 $0xFFFFF800;
	(pc) =	sbr.rel @p0 .LBB2_1-.Ltmp2, $4  }
0xb4: {  	[hbm:s18], [sflag:s4] =	dma.local [spmem:s8], $0x800  }
0xb5: {  	_ =	swait.ge [sflag:s25], $0x800  }
0xb6: {  	[sflag:s25] =	ssyncset.done $0x0  }
0xb7: {  	[sflag:s25] =	ssyncadd.s32 $0xFFFFF800  }
0xb8: {  	_ =	sfence.sel $0x180000  }
0xb9: {  	[bflag:$0x0] =	sbarrier.arrive $0xFFFF  }
0xba: {  	_ =	strace $0x9000004A  }
0xbb: {  	s0 =	stileid.u32;
	[bflag:$0x2] =	sbarrier.arrive $0xFFFF  }
0xbc: {  	p0 =	sne.s32 s0, $0x0;
	s0 =	rddreg [dreg:$0x3]  }
0xbd: {  	s0 =	sadd.s32 @!p0 $0x100000, s0  }
0xbe: {  	[sflag:s0] =	ssyncadd.tile.s32 @!p0 $0x1;
	_ =	shalt  }
.Lfunc_end2:
_tile_overlayer_lowered:
.L_overlay_start_2:
0xbf: {  	(tag) =	ssettag $0x2  }
0xc0: {  	s0 =	rddreg [dreg:$0x0];
	s2 =	stileid.u32  }
0xc1: {  	s1 =	rddreg [dreg:$0x1];
	p0 =	sne.s32 s2, $0x0  }
0xc2: {  	s3 =	rddreg [dreg:$0x2];
	[bflag:$0x3] =	sbarrier.arrive $0xFFFF;
	s2 =	simm.s32 @!p0 $0x1C05  }
0xc3: {  	[timem:s3], [sflag:s2] =	dma.local @!p0 [hbm:s0], s1  }
0xc4: {  	s0 =	simm.s32 @!p0 $0x5  }
0xc5: {  	_ =	swait.ge @!p0 [sflag:s0], s1  }
0xc6: {  	s1 =	ssub.s32 @!p0 $0x0, s1;
	[sflag:s0] =	ssyncset.done @!p0 $0x0  }
0xc7: {  	[sflag:s0] =	ssyncadd.s32 @!p0 s1  }
0xc8: {  	[bflag:$0x3] =	sbarrier.arrive $0xFFFF  }
0xc9: {  	_ =	shalt  }

</sc_bundles>
